<compile_context>
chip_gen: v7x
topology: tpu7x:2x2x1
jax: 0.10.2.dev20260603
libtpu: 0.0.44.dev20260713+nightly
codegen_flags: <defaults>
</compile_context>

<pallas_src>
import jax
import jax.numpy as jnp
from jax import lax
from jax.experimental import pallas as pl
from jax.experimental.pallas import tpu as pltpu
from jax.experimental.pallas import tpu_sc as plsc

NC = 2
NS = 16
NW = NC * NS
CH = 125
NPAD = 10240


def _gather_body(table_hbm, idx_hbm, out_hbm, idx_v, rows_v, sem):
    c = lax.axis_index("c")
    s = lax.axis_index("s")
    wid = s * NC + c
    n_chunks = idx_v.shape[0]
    pltpu.sync_copy(idx_hbm.at[wid], idx_v)

    def fire(g, carry):
        pltpu.async_copy(table_hbm.at[idx_v.at[g]], rows_v.at[g], sem)
        return carry

    lax.fori_loop(0, n_chunks, fire, 0)
    pltpu.make_async_copy(out_hbm.at[wid], rows_v, sem).wait()
    pltpu.sync_copy(rows_v, out_hbm.at[wid])


def _sc_gather(table, idx3, e_total, d):
    n_chunks = e_total // NW // CH
    mesh = plsc.VectorSubcoreMesh(core_axis_name="c", subcore_axis_name="s")
    fn = pl.kernel(
        _gather_body,
        out_type=jax.ShapeDtypeStruct((NW, n_chunks, CH, d), jnp.float32),
        mesh=mesh,
        compiler_params=pltpu.CompilerParams(use_tc_tiling_on_sc=False),
        scratch_types=[
            pltpu.VMEM((n_chunks, CH), jnp.int32),
            pltpu.VMEM((n_chunks, CH, d), jnp.float32),
            pltpu.SemaphoreType.DMA,
        ],
    )
    return fn(table, idx3)


def _scatter_body(tp_hbm, idx_hbm, zeros_hbm, out_hbm, idx_v, tp_v, acc, sem):
    c = lax.axis_index("c")
    s = lax.axis_index("s")
    wid = s * NC + c
    per_tile = NPAD // NS
    n_chunks = idx_v.shape[0]
    g_rows = tp_v.shape[0]
    n_groups = n_chunks // g_rows

    pltpu.sync_copy(zeros_hbm.at[pl.ds(s * per_tile, per_tile)],
                    acc.at[pl.ds(s * per_tile, per_tile)])
    plsc.subcore_barrier()

    pltpu.sync_copy(idx_hbm.at[wid], idx_v)

    def group(g, carry):
        src = tp_hbm.at[wid].at[pl.ds(g * g_rows, g_rows)]
        pltpu.sync_copy(src, tp_v)
        for j in range(g_rows):
            pltpu.async_copy(tp_v.at[j], acc.at[idx_v.at[g * g_rows + j]],
                             sem, add=True)
        pltpu.make_async_copy(src, tp_v, sem).wait()
        return carry

    lax.fori_loop(0, n_groups, group, 0)
    plsc.subcore_barrier()
    pltpu.sync_copy(acc.at[pl.ds(s * per_tile, per_tile)],
                    out_hbm.at[c].at[pl.ds(s * per_tile, per_tile)])


def _sc_scatter(tp4, idx3, zeros, e_total):
    n_chunks = e_total // NW // CH
    g_rows = 20
    mesh = plsc.VectorSubcoreMesh(core_axis_name="c", subcore_axis_name="s")
    fn = pl.kernel(
        _scatter_body,
        out_type=jax.ShapeDtypeStruct((NC, NPAD, 32), jnp.float32),
        mesh=mesh,
        compiler_params=pltpu.CompilerParams(use_tc_tiling_on_sc=False),
        scratch_types=[
            pltpu.VMEM((n_chunks, CH), jnp.int32),
            pltpu.VMEM((g_rows, CH, 32), jnp.float32),
            pltpu.VMEM_SHARED((NPAD, 32), jnp.float32),
            pltpu.SemaphoreType.DMA,
        ],
    )
    return fn(tp4, idx3, zeros)


def _edge_tc_body(ef_ref, y_ref, sh_ref, w1_ref, b1_ref, w2a_ref, w2b_ref,
                  b2a_ref, b2b_ref, r8_ref, s8a_ref, s8b_ref, out_ref):
    f32 = jnp.float32
    bf16 = jnp.bfloat16
    h = jnp.maximum(jnp.dot(ef_ref[...], w1_ref[...],
                            preferred_element_type=f32)
                    + b1_ref[...].astype(f32), 0.0).astype(bf16)
    wa = (jnp.dot(h[:, :256], w2a_ref[...], preferred_element_type=f32)
          + b2a_ref[...].astype(f32)).astype(bf16)
    wb = (jnp.dot(h[:, 256:], w2b_ref[...], preferred_element_type=f32)
          + b2b_ref[...].astype(f32)).astype(bf16)
    il = lax.broadcasted_iota(jnp.int32, (8, 128), 1)
    ir = lax.broadcasted_iota(jnp.int32, (8, 128), 0)
    exp = (il // 16 == ir).astype(f32)
    shx = jnp.dot(sh_ref[...], exp, preferred_element_type=f32)
    ys = (y_ref[...] * shx).astype(bf16)
    p8 = jnp.dot(ys, r8_ref[...],
                 preferred_element_type=f32).astype(bf16)
    za = wa * p8[:, :1024]
    zb = wb * p8[:, 1024:]
    tp = jnp.dot(za, s8a_ref[...], preferred_element_type=f32) \
        + jnp.dot(zb, s8b_ref[...], preferred_element_type=f32)
    ol = lax.broadcasted_iota(jnp.int32, (1, 256), 1)
    tp = tp + (ol % 32 >= 16).astype(f32)
    out_ref[...] = tp


def _edge_tc(ef8, y8, sh8, w1_8, b1_8, w2a, w2b, b2a, b2b, r8, s8a, s8b,
             m_total):
    blk = 2000
    grid = (m_total // blk,)
    c0 = lambda i: (0, 0)
    return pl.pallas_call(
        _edge_tc_body,
        grid=grid,
        in_specs=[
            pl.BlockSpec((blk, 512), lambda i: (i, 0)),
            pl.BlockSpec((blk, 128), lambda i: (i, 0)),
            pl.BlockSpec((blk, 8), lambda i: (i, 0)),
            pl.BlockSpec((512, 512), c0),
            pl.BlockSpec((1, 512), c0),
            pl.BlockSpec((256, 1024), c0),
            pl.BlockSpec((256, 1024), c0),
            pl.BlockSpec((1, 1024), c0),
            pl.BlockSpec((1, 1024), c0),
            pl.BlockSpec((128, 2048), c0),
            pl.BlockSpec((1024, 256), c0),
            pl.BlockSpec((1024, 256), c0),
        ],
        out_specs=pl.BlockSpec((blk, 256), lambda i: (i, 0)),
        out_shape=jax.ShapeDtypeStruct((m_total, 256), jnp.float32),
    )(ef8, y8, sh8, w1_8, b1_8, w2a, w2b, b2a, b2b, r8, s8a, s8b)


def _finalize_body(p_ref, atom_ref, bnw_ref, bnb_ref, out_ref):
    n = atom_ref.shape[0]
    p0 = p_ref[0, :n]
    p1 = p_ref[1, :n]
    summed = p0[:, :16] + p1[:, :16]
    cnt = p0[:, 16:17] + p1[:, 16:17]
    out0 = summed / jnp.maximum(cnt, 1.0) + atom_ref[...]
    mu = jnp.mean(out0, axis=0, keepdims=True)
    d = out0 - mu
    var = jnp.mean(d * d, axis=0, keepdims=True)
    out_ref[...] = d * lax.rsqrt(var + 1e-5) * bnw_ref[...] + bnb_ref[...]


def _finalize(partials, atom, bnw, bnb, n):
    return pl.pallas_call(
        _finalize_body,
        out_shape=jax.ShapeDtypeStruct((n, 16), jnp.float32),
    )(partials, atom, bnw, bnb)


def kernel(atom_features, edge_features, edge_sh, edge_index, fc_w1, fc_b1,
           fc_w2, fc_b2, bn_weight, bn_bias):
    f32 = jnp.float32
    bf16 = jnp.bfloat16
    n, d_in = atom_features.shape
    e_total = edge_features.shape[0]
    m_total = e_total // 8
    n_chunks = e_total // NW // CH
    edge_dst = edge_index[0].astype(jnp.int32)
    edge_src = edge_index[1].astype(jnp.int32)
    dst3 = edge_dst.reshape(NW, n_chunks, CH)
    src3 = edge_src.reshape(NW, n_chunks, CH)
    zeros = jnp.zeros((NPAD, 32), f32)

    ef8 = edge_features.astype(bf16).reshape(m_total, 512)
    sh8 = edge_sh.reshape(m_total, 8)
    eye8 = jnp.eye(8, dtype=f32)
    w1_8 = jnp.kron(eye8, fc_w1).astype(bf16)
    b1_8 = jnp.tile(fc_b1, 8).reshape(1, 512).astype(bf16)
    w2_8 = jnp.kron(eye8, fc_w2)
    w2a = w2_8[:256, :1024].astype(bf16)
    w2b = w2_8[256:, 1024:].astype(bf16)
    b2_8 = jnp.tile(fc_b2, 8).reshape(1, 2048).astype(bf16)
    b2a = b2_8[:, :1024]
    b2b = b2_8[:, 1024:]
    cc = jnp.arange(2048)
    ll = jnp.arange(128)[:, None]
    r8 = (0.25 * (ll == (cc // 256) * 16 + (cc % 256) // 16)).astype(bf16)
    c2 = jnp.arange(2048)[:, None]
    kk = jnp.arange(256)
    s8o = ((c2 // 256 == kk // 32) & (kk % 32 < 16)
           & (c2 % 16 == kk % 32)).astype(bf16)
    s8a = s8o[:1024]
    s8b = s8o[1024:]

    y4 = _sc_gather(atom_features, dst3, e_total, d_in)
    y8 = y4.reshape(m_total, 128)
    tp8o = _edge_tc(ef8, y8, sh8, w1_8, b1_8, w2a, w2b, b2a, b2b,
                    r8, s8a, s8b, m_total)
    partials = _sc_scatter(tp8o.reshape(NW, n_chunks, CH, 32), src3, zeros,
                           e_total)
    out = _finalize(partials, atom_features,
                    bn_weight.reshape(1, -1), bn_bias.reshape(1, -1), n)
    return (out, edge_features)

# --- scband reference (transcript-rebuilt; emitter-appended) ---
"""Pipeline reference for scband-tensor-conv-layer-37134287242018 (READ-ONLY COPY).

The authoritative reference and input builder live on the scoring server;
editing this copy changes nothing except your own understanding.
"""

import jax, jax.numpy as jnp
import numpy as np

N = 10000
E = 160000
D_IN = 16
SH = 1
D_OUT = 16
H_EDGE = 64
WEIGHT_NUMEL = D_IN * SH * D_OUT


def setup_inputs(seed: int = 0) -> dict:
    key = jax.random.key(seed)
    ks = jax.random.split(key, 10)
    atom_features = jax.random.normal(ks[0], (N, D_IN), dtype=jnp.float32)
    edge_features = jax.random.normal(ks[1], (E, H_EDGE), dtype=jnp.float32)
    edge_sh = jax.random.normal(ks[2], (E, SH), dtype=jnp.float32)
    edge_index = jax.random.randint(ks[3], (2, E), 0, N)
    fc_w1 = jax.random.normal(ks[4], (H_EDGE, H_EDGE), dtype=jnp.float32) / np.sqrt(H_EDGE)
    fc_b1 = jnp.zeros((H_EDGE,), jnp.float32)
    fc_w2 = jax.random.normal(ks[5], (H_EDGE, WEIGHT_NUMEL), dtype=jnp.float32) / np.sqrt(H_EDGE)
    fc_b2 = jnp.zeros((WEIGHT_NUMEL,), jnp.float32)
    bn_weight = jnp.ones((D_OUT,), jnp.float32)
    bn_bias = jnp.zeros((D_OUT,), jnp.float32)
    return {
        "atom_features": atom_features,
        "edge_features": edge_features,
        "edge_sh": edge_sh,
        "edge_index": edge_index,
        "fc_w1": fc_w1,
        "fc_b1": fc_b1,
        "fc_w2": fc_w2,
        "fc_b2": fc_b2,
        "bn_weight": bn_weight,
        "bn_bias": bn_bias,
    }


def reference(atom_features, edge_features, edge_sh, edge_index, fc_w1, fc_b1, fc_w2, fc_b2, bn_weight, bn_bias):
    edge_dst = edge_index[0]
    edge_src = edge_index[1]
    # per-edge tensor-product weights from edge features (fc MLP)
    h = jax.nn.relu(edge_features @ fc_w1 + fc_b1)
    w = h @ fc_w2 + fc_b2  # [E, weight_numel]
    w = w.reshape(E, D_IN, SH, D_OUT)
    # gather dst node features (SparseCore gather)
    x_e = jnp.take(atom_features, edge_dst, axis=0)  # [E, D_IN]
    # fully-connected tensor product on scalar irreps with e3nn element path normalization
    tp = jnp.einsum('ei,ej,eijk->ek', x_e, edge_sh, w) / np.sqrt(D_IN * SH)
    # scatter_mean over source nodes with dim_size=N
    summed = jax.ops.segment_sum(tp, edge_src, num_segments=N)
    counts = jax.ops.segment_sum(jnp.ones((E,), jnp.float32), edge_src, num_segments=N)
    out = summed / jnp.clip(counts, 1.0, None)[:, None]
    # residual (in_dim == out_dim so F.pad is a no-op)
    out = out + atom_features
    # e3nn BatchNorm on scalar irreps (training-mode batch stats, per-channel)
    mu = jnp.mean(out, axis=0)
    var = jnp.mean((out - mu) ** 2, axis=0)
    out = (out - mu) / jnp.sqrt(var + 1e-5) * bn_weight + bn_bias
    return (out, edge_features)

if __name__ == "__main__":
    import jax
    _d = setup_inputs()
    print(jax.jit(kernel)(*tuple(_d.values())))

</pallas_src>

<mosaic_0001>
#map = affine_map<(d0, d1) -> (0, 0, 0, 0)>
#map1 = affine_map<(d0, d1) -> (0, 0, 0)>
#map2 = affine_map<(d0, d1) -> (0, 0)>
module attributes {stable_mosaic.version = 14 : i64} {
  func.func @_scatter_body(%arg0: i32, %arg1: i32, %arg2: memref<32x40x125x32xf32, #tpu.memory_space<hbm>>, %arg3: memref<32x40x125xi32, #tpu.memory_space<hbm>>, %arg4: memref<10240x32xf32, #tpu.memory_space<hbm>>, %arg5: memref<2x10240x32xf32, #tpu.memory_space<hbm>>, %arg6: memref<40x125xi32, #tpu.memory_space<vmem>>, %arg7: memref<20x125x32xf32, #tpu.memory_space<vmem>>, %arg8: memref<10240x32xf32, #tpu.memory_space<vmem_shared>>, %arg9: memref<!tpu.dma_semaphore, #tpu.memory_space<semaphore_mem>>) attributes {dimension_semantics = [#tpu.dimension_semantics<core_parallel>, #tpu.dimension_semantics<subcore_parallel>], iteration_bounds = array<i64: 2, 16>, scalar_prefetch = 0 : i64, scratch_operands = 4 : i64, tpu.core_type = #tpu.core_type<sc_vector_subcore>, window_params = [{transform_indices = #map}, {transform_indices = #map1}, {transform_indices = #map2}, {transform_indices = #map1}]} {
    %mul3A = arith.constant 2 : i32
    %mul3A_0 = arith.muli %arg1, %mul3A : i32
    %add3A = arith.addi %mul3A_0, %arg0 : i32
    %mul3A_1 = arith.constant 640 : i32
    %mul3A_2 = arith.muli %arg1, %mul3A_1 : i32
    %mul3A_3 = arith.constant 640 : i32
    %mul3A_4 = arith.muli %arg1, %mul3A_3 : i32
    "tpu.region"() ({
      %run_scoped3A = tpu.sem_alloc : memref<!tpu.dma_semaphore, #tpu.memory_space<semaphore_mem>>
      %dma_start3A = arith.constant 0 : i32
      %dma_start3A_15 = tpu.memref_slice %arg8[%mul3A_4, %dma_start3A] : memref<10240x32xf32, #tpu.memory_space<vmem_shared>> -> memref<640x32xf32, #tpu.memory_space<vmem_shared>>
      %dma_start3A_16 = arith.constant 0 : i32
      %dma_start3A_17 = tpu.memref_slice %arg4[%mul3A_2, %dma_start3A_16] : memref<10240x32xf32, #tpu.memory_space<hbm>> -> memref<640x32xf32, #tpu.memory_space<hbm>>
      tpu.enqueue_dma source(%dma_start3A_17 : memref<640x32xf32, #tpu.memory_space<hbm>>) target(%dma_start3A_15 : memref<640x32xf32, #tpu.memory_space<vmem_shared>>) target_semaphore(%run_scoped3A : memref<!tpu.dma_semaphore, #tpu.memory_space<semaphore_mem>>)
      %dma_wait3A = arith.constant 0 : i32
      %dma_wait3A_18 = tpu.memref_slice %arg8[%mul3A_4, %dma_wait3A] : memref<10240x32xf32, #tpu.memory_space<vmem_shared>> -> memref<640x32xf32, #tpu.memory_space<vmem_shared>>
      %dma_wait3A_19 = arith.constant 0 : i32
      %dma_wait3A_20 = tpu.memref_slice %arg4[%mul3A_2, %dma_wait3A_19] : memref<10240x32xf32, #tpu.memory_space<hbm>> -> memref<640x32xf32, #tpu.memory_space<hbm>>
      tpu.wait_dma2 semaphore(%run_scoped3A : memref<!tpu.dma_semaphore, #tpu.memory_space<semaphore_mem>>) src(%dma_wait3A_20 : memref<640x32xf32, #tpu.memory_space<hbm>>) dst(%dma_wait3A_18 : memref<640x32xf32, #tpu.memory_space<vmem_shared>>)
      tpu.yield
    }) : () -> ()
    %barrier3A = arith.constant 0 : index
    tpu.barrier barrier_id(%barrier3A)
    "tpu.region"() ({
      %run_scoped3A = tpu.sem_alloc : memref<!tpu.dma_semaphore, #tpu.memory_space<semaphore_mem>>
      %dma_start3A = arith.constant 0 : i32
      %dma_start3A_15 = arith.constant 0 : i32
      %dma_start3A_16 = tpu.memref_slice %arg3[%add3A, %dma_start3A, %dma_start3A_15] : memref<32x40x125xi32, #tpu.memory_space<hbm>> -> memref<1x40x125xi32, #tpu.memory_space<hbm>>
      %dma_start3A_17 = tpu.memref_squeeze %dma_start3A_16 : memref<1x40x125xi32, #tpu.memory_space<hbm>> -> memref<40x125xi32, #tpu.memory_space<hbm>>
      %dma_start3A_18 = arith.constant 0 : i32
      %dma_start3A_19 = arith.constant 0 : i32
      %dma_start3A_20 = tpu.memref_slice %arg3[%add3A, %dma_start3A_18, %dma_start3A_19] : memref<32x40x125xi32, #tpu.memory_space<hbm>> -> memref<1x40x125xi32, #tpu.memory_space<hbm>>
      %dma_start3A_21 = tpu.memref_squeeze %dma_start3A_20 : memref<1x40x125xi32, #tpu.memory_space<hbm>> -> memref<40x125xi32, #tpu.memory_space<hbm>>
      tpu.enqueue_dma source(%dma_start3A_21 : memref<40x125xi32, #tpu.memory_space<hbm>>) target(%arg6 : memref<40x125xi32, #tpu.memory_space<vmem>>) target_semaphore(%run_scoped3A : memref<!tpu.dma_semaphore, #tpu.memory_space<semaphore_mem>>)
      %dma_wait3A = arith.constant 0 : i32
      %dma_wait3A_22 = arith.constant 0 : i32
      %dma_wait3A_23 = tpu.memref_slice %arg3[%add3A, %dma_wait3A, %dma_wait3A_22] : memref<32x40x125xi32, #tpu.memory_space<hbm>> -> memref<1x40x125xi32, #tpu.memory_space<hbm>>
      %dma_wait3A_24 = tpu.memref_squeeze %dma_wait3A_23 : memref<1x40x125xi32, #tpu.memory_space<hbm>> -> memref<40x125xi32, #tpu.memory_space<hbm>>
      %dma_wait3A_25 = arith.constant 0 : i32
      %dma_wait3A_26 = arith.constant 0 : i32
      %dma_wait3A_27 = tpu.memref_slice %arg3[%add3A, %dma_wait3A_25, %dma_wait3A_26] : memref<32x40x125xi32, #tpu.memory_space<hbm>> -> memref<1x40x125xi32, #tpu.memory_space<hbm>>
      %dma_wait3A_28 = tpu.memref_squeeze %dma_wait3A_27 : memref<1x40x125xi32, #tpu.memory_space<hbm>> -> memref<40x125xi32, #tpu.memory_space<hbm>>
      tpu.wait_dma2 semaphore(%run_scoped3A : memref<!tpu.dma_semaphore, #tpu.memory_space<semaphore_mem>>) src(%dma_wait3A_28 : memref<40x125xi32, #tpu.memory_space<hbm>>) dst(%arg6 : memref<40x125xi32, #tpu.memory_space<vmem>>)
      tpu.yield
    }) : () -> ()
    %scan3A = arith.constant 0 : i32
    %scan3A_5 = arith.constant 0 : i32
    %scan3A_6 = arith.constant 2 : i32
    %scan3A_7 = arith.addi %scan3A_5, %scan3A_6 : i32
    %scan3A_8 = arith.constant 1 : i32
    scf.for %scan3A_15 = %scan3A_5 to %scan3A_7 step %scan3A_8  : i32 {
      %mul3A_16 = arith.constant 20 : i32
      %mul3A_17 = arith.muli %scan3A_15, %mul3A_16 : i32
      "tpu.region"() ({
        %run_scoped3A = tpu.sem_alloc : memref<!tpu.dma_semaphore, #tpu.memory_space<semaphore_mem>>
        %dma_start3A_332 = arith.constant 0 : i32
        %dma_start3A_333 = arith.constant 0 : i32
        %dma_start3A_334 = arith.constant 0 : i32
        %dma_start3A_335 = tpu.memref_slice %arg2[%add3A, %dma_start3A_332, %dma_start3A_333, %dma_start3A_334] : memref<32x40x125x32xf32, #tpu.memory_space<hbm>> -> memref<1x40x125x32xf32, #tpu.memory_space<hbm>>
        %dma_start3A_336 = tpu.memref_squeeze %dma_start3A_335 : memref<1x40x125x32xf32, #tpu.memory_space<hbm>> -> memref<40x125x32xf32, #tpu.memory_space<hbm>>
        %dma_start3A_337 = arith.constant 0 : i32
        %dma_start3A_338 = arith.constant 0 : i32
        %dma_start3A_339 = tpu.memref_slice %dma_start3A_336[%mul3A_17, %dma_start3A_337, %dma_start3A_338] : memref<40x125x32xf32, #tpu.memory_space<hbm>> -> memref<20x125x32xf32, #tpu.memory_space<hbm>>
        %dma_start3A_340 = arith.constant 0 : i32
        %dma_start3A_341 = arith.constant 0 : i32
        %dma_start3A_342 = arith.constant 0 : i32
        %dma_start3A_343 = tpu.memref_slice %arg2[%add3A, %dma_start3A_340, %dma_start3A_341, %dma_start3A_342] : memref<32x40x125x32xf32, #tpu.memory_space<hbm>> -> memref<1x40x125x32xf32, #tpu.memory_space<hbm>>
        %dma_start3A_344 = tpu.memref_squeeze %dma_start3A_343 : memref<1x40x125x32xf32, #tpu.memory_space<hbm>> -> memref<40x125x32xf32, #tpu.memory_space<hbm>>
        %dma_start3A_345 = arith.constant 0 : i32
        %dma_start3A_346 = arith.constant 0 : i32
        %dma_start3A_347 = tpu.memref_slice %dma_start3A_344[%mul3A_17, %dma_start3A_345, %dma_start3A_346] : memref<40x125x32xf32, #tpu.memory_space<hbm>> -> memref<20x125x32xf32, #tpu.memory_space<hbm>>
        tpu.enqueue_dma source(%dma_start3A_347 : memref<20x125x32xf32, #tpu.memory_space<hbm>>) target(%arg7 : memref<20x125x32xf32, #tpu.memory_space<vmem>>) target_semaphore(%run_scoped3A : memref<!tpu.dma_semaphore, #tpu.memory_space<semaphore_mem>>)
        %dma_wait3A_348 = arith.constant 0 : i32
        %dma_wait3A_349 = arith.constant 0 : i32
        %dma_wait3A_350 = arith.constant 0 : i32
        %dma_wait3A_351 = tpu.memref_slice %arg2[%add3A, %dma_wait3A_348, %dma_wait3A_349, %dma_wait3A_350] : memref<32x40x125x32xf32, #tpu.memory_space<hbm>> -> memref<1x40x125x32xf32, #tpu.memory_space<hbm>>
        %dma_wait3A_352 = tpu.memref_squeeze %dma_wait3A_351 : memref<1x40x125x32xf32, #tpu.memory_space<hbm>> -> memref<40x125x32xf32, #tpu.memory_space<hbm>>
        %dma_wait3A_353 = arith.constant 0 : i32
        %dma_wait3A_354 = arith.constant 0 : i32
        %dma_wait3A_355 = tpu.memref_slice %dma_wait3A_352[%mul3A_17, %dma_wait3A_353, %dma_wait3A_354] : memref<40x125x32xf32, #tpu.memory_space<hbm>> -> memref<20x125x32xf32, #tpu.memory_space<hbm>>
        %dma_wait3A_356 = arith.constant 0 : i32
        %dma_wait3A_357 = arith.constant 0 : i32
        %dma_wait3A_358 = arith.constant 0 : i32
        %dma_wait3A_359 = tpu.memref_slice %arg2[%add3A, %dma_wait3A_356, %dma_wait3A_357, %dma_wait3A_358] : memref<32x40x125x32xf32, #tpu.memory_space<hbm>> -> memref<1x40x125x32xf32, #tpu.memory_space<hbm>>
        %dma_wait3A_360 = tpu.memref_squeeze %dma_wait3A_359 : memref<1x40x125x32xf32, #tpu.memory_space<hbm>> -> memref<40x125x32xf32, #tpu.memory_space<hbm>>
        %dma_wait3A_361 = arith.constant 0 : i32
        %dma_wait3A_362 = arith.constant 0 : i32
        %dma_wait3A_363 = tpu.memref_slice %dma_wait3A_360[%mul3A_17, %dma_wait3A_361, %dma_wait3A_362] : memref<40x125x32xf32, #tpu.memory_space<hbm>> -> memref<20x125x32xf32, #tpu.memory_space<hbm>>
        tpu.wait_dma2 semaphore(%run_scoped3A : memref<!tpu.dma_semaphore, #tpu.memory_space<semaphore_mem>>) src(%dma_wait3A_363 : memref<20x125x32xf32, #tpu.memory_space<hbm>>) dst(%arg7 : memref<20x125x32xf32, #tpu.memory_space<vmem>>)
        tpu.yield
      }) : () -> ()
      %mul3A_18 = arith.constant 20 : i32
      %mul3A_19 = arith.muli %scan3A_15, %mul3A_18 : i32
      %add3A_20 = arith.constant 0 : i32
      %add3A_21 = arith.addi %mul3A_19, %add3A_20 : i32
      %dma_start3A = arith.constant 0 : i32
      %dma_start3A_22 = arith.constant 0 : i32
      %dma_start3A_23 = arith.constant 0 : i32
      %dma_start3A_24 = tpu.memref_slice %arg7[%dma_start3A, %dma_start3A_22, %dma_start3A_23] : memref<20x125x32xf32, #tpu.memory_space<vmem>> -> memref<1x125x32xf32, #tpu.memory_space<vmem>>
      %dma_start3A_25 = tpu.memref_squeeze %dma_start3A_24 : memref<1x125x32xf32, #tpu.memory_space<vmem>> -> memref<125x32xf32, #tpu.memory_space<vmem>>
      %dma_start3A_26 = arith.constant 0 : i32
      %dma_start3A_27 = tpu.memref_slice %arg6[%add3A_21, %dma_start3A_26] : memref<40x125xi32, #tpu.memory_space<vmem>> -> memref<1x125xi32, #tpu.memory_space<vmem>>
      %dma_start3A_28 = tpu.memref_squeeze %dma_start3A_27 : memref<1x125xi32, #tpu.memory_space<vmem>> -> memref<125xi32, #tpu.memory_space<vmem>>
      %dma_start3A_29 = arith.constant 0 : i32
      %dma_start3A_30 = arith.constant 0 : i32
      %dma_start3A_31 = tpu.memref_slice %arg8[%dma_start3A_29, %dma_start3A_30] : memref<10240x32xf32, #tpu.memory_space<vmem_shared>> -> memref<10240x32xf32, #tpu.memory_space<vmem_shared>>
      tpu.enqueue_indirect_dma source(%dma_start3A_25 : memref<125x32xf32, #tpu.memory_space<vmem>>) target(%dma_start3A_31 : memref<10240x32xf32, #tpu.memory_space<vmem_shared>>) offsets(%dma_start3A_28 : memref<125xi32, #tpu.memory_space<vmem>>) semaphore(%arg9 : memref<!tpu.dma_semaphore, #tpu.memory_space<semaphore_mem>>) {add = true}
      %mul3A_32 = arith.constant 20 : i32
      %mul3A_33 = arith.muli %scan3A_15, %mul3A_32 : i32
      %add3A_34 = arith.constant 1 : i32
      %add3A_35 = arith.addi %mul3A_33, %add3A_34 : i32
      %dma_start3A_36 = arith.constant 1 : i32
      %dma_start3A_37 = arith.constant 0 : i32
      %dma_start3A_38 = arith.constant 0 : i32
      %dma_start3A_39 = tpu.memref_slice %arg7[%dma_start3A_36, %dma_start3A_37, %dma_start3A_38] : memref<20x125x32xf32, #tpu.memory_space<vmem>> -> memref<1x125x32xf32, #tpu.memory_space<vmem>>
      %dma_start3A_40 = tpu.memref_squeeze %dma_start3A_39 : memref<1x125x32xf32, #tpu.memory_space<vmem>> -> memref<125x32xf32, #tpu.memory_space<vmem>>
      %dma_start3A_41 = arith.constant 0 : i32
      %dma_start3A_42 = tpu.memref_slice %arg6[%add3A_35, %dma_start3A_41] : memref<40x125xi32, #tpu.memory_space<vmem>> -> memref<1x125xi32, #tpu.memory_space<vmem>>
      %dma_start3A_43 = tpu.memref_squeeze %dma_start3A_42 : memref<1x125xi32, #tpu.memory_space<vmem>> -> memref<125xi32, #tpu.memory_space<vmem>>
      %dma_start3A_44 = arith.constant 0 : i32
      %dma_start3A_45 = arith.constant 0 : i32
      %dma_start3A_46 = tpu.memref_slice %arg8[%dma_start3A_44, %dma_start3A_45] : memref<10240x32xf32, #tpu.memory_space<vmem_shared>> -> memref<10240x32xf32, #tpu.memory_space<vmem_shared>>
      tpu.enqueue_indirect_dma source(%dma_start3A_40 : memref<125x32xf32, #tpu.memory_space<vmem>>) target(%dma_start3A_46 : memref<10240x32xf32, #tpu.memory_space<vmem_shared>>) offsets(%dma_start3A_43 : memref<125xi32, #tpu.memory_space<vmem>>) semaphore(%arg9 : memref<!tpu.dma_semaphore, #tpu.memory_space<semaphore_mem>>) {add = true}
      %mul3A_47 = arith.constant 20 : i32
      %mul3A_48 = arith.muli %scan3A_15, %mul3A_47 : i32
      %add3A_49 = arith.constant 2 : i32
      %add3A_50 = arith.addi %mul3A_48, %add3A_49 : i32
      %dma_start3A_51 = arith.constant 2 : i32
      %dma_start3A_52 = arith.constant 0 : i32
      %dma_start3A_53 = arith.constant 0 : i32
      %dma_start3A_54 = tpu.memref_slice %arg7[%dma_start3A_51, %dma_start3A_52, %dma_start3A_53] : memref<20x125x32xf32, #tpu.memory_space<vmem>> -> memref<1x125x32xf32, #tpu.memory_space<vmem>>
      %dma_start3A_55 = tpu.memref_squeeze %dma_start3A_54 : memref<1x125x32xf32, #tpu.memory_space<vmem>> -> memref<125x32xf32, #tpu.memory_space<vmem>>
      %dma_start3A_56 = arith.constant 0 : i32
      %dma_start3A_57 = tpu.memref_slice %arg6[%add3A_50, %dma_start3A_56] : memref<40x125xi32, #tpu.memory_space<vmem>> -> memref<1x125xi32, #tpu.memory_space<vmem>>
      %dma_start3A_58 = tpu.memref_squeeze %dma_start3A_57 : memref<1x125xi32, #tpu.memory_space<vmem>> -> memref<125xi32, #tpu.memory_space<vmem>>
      %dma_start3A_59 = arith.constant 0 : i32
      %dma_start3A_60 = arith.constant 0 : i32
      %dma_start3A_61 = tpu.memref_slice %arg8[%dma_start3A_59, %dma_start3A_60] : memref<10240x32xf32, #tpu.memory_space<vmem_shared>> -> memref<10240x32xf32, #tpu.memory_space<vmem_shared>>
      tpu.enqueue_indirect_dma source(%dma_start3A_55 : memref<125x32xf32, #tpu.memory_space<vmem>>) target(%dma_start3A_61 : memref<10240x32xf32, #tpu.memory_space<vmem_shared>>) offsets(%dma_start3A_58 : memref<125xi32, #tpu.memory_space<vmem>>) semaphore(%arg9 : memref<!tpu.dma_semaphore, #tpu.memory_space<semaphore_mem>>) {add = true}
      %mul3A_62 = arith.constant 20 : i32
      %mul3A_63 = arith.muli %scan3A_15, %mul3A_62 : i32
      %add3A_64 = arith.constant 3 : i32
      %add3A_65 = arith.addi %mul3A_63, %add3A_64 : i32
      %dma_start3A_66 = arith.constant 3 : i32
      %dma_start3A_67 = arith.constant 0 : i32
      %dma_start3A_68 = arith.constant 0 : i32
      %dma_start3A_69 = tpu.memref_slice %arg7[%dma_start3A_66, %dma_start3A_67, %dma_start3A_68] : memref<20x125x32xf32, #tpu.memory_space<vmem>> -> memref<1x125x32xf32, #tpu.memory_space<vmem>>
      %dma_start3A_70 = tpu.memref_squeeze %dma_start3A_69 : memref<1x125x32xf32, #tpu.memory_space<vmem>> -> memref<125x32xf32, #tpu.memory_space<vmem>>
      %dma_start3A_71 = arith.constant 0 : i32
      %dma_start3A_72 = tpu.memref_slice %arg6[%add3A_65, %dma_start3A_71] : memref<40x125xi32, #tpu.memory_space<vmem>> -> memref<1x125xi32, #tpu.memory_space<vmem>>
      %dma_start3A_73 = tpu.memref_squeeze %dma_start3A_72 : memref<1x125xi32, #tpu.memory_space<vmem>> -> memref<125xi32, #tpu.memory_space<vmem>>
      %dma_start3A_74 = arith.constant 0 : i32
      %dma_start3A_75 = arith.constant 0 : i32
      %dma_start3A_76 = tpu.memref_slice %arg8[%dma_start3A_74, %dma_start3A_75] : memref<10240x32xf32, #tpu.memory_space<vmem_shared>> -> memref<10240x32xf32, #tpu.memory_space<vmem_shared>>
      tpu.enqueue_indirect_dma source(%dma_start3A_70 : memref<125x32xf32, #tpu.memory_space<vmem>>) target(%dma_start3A_76 : memref<10240x32xf32, #tpu.memory_space<vmem_shared>>) offsets(%dma_start3A_73 : memref<125xi32, #tpu.memory_space<vmem>>) semaphore(%arg9 : memref<!tpu.dma_semaphore, #tpu.memory_space<semaphore_mem>>) {add = true}
      %mul3A_77 = arith.constant 20 : i32
      %mul3A_78 = arith.muli %scan3A_15, %mul3A_77 : i32
      %add3A_79 = arith.constant 4 : i32
      %add3A_80 = arith.addi %mul3A_78, %add3A_79 : i32
      %dma_start3A_81 = arith.constant 4 : i32
      %dma_start3A_82 = arith.constant 0 : i32
      %dma_start3A_83 = arith.constant 0 : i32
      %dma_start3A_84 = tpu.memref_slice %arg7[%dma_start3A_81, %dma_start3A_82, %dma_start3A_83] : memref<20x125x32xf32, #tpu.memory_space<vmem>> -> memref<1x125x32xf32, #tpu.memory_space<vmem>>
      %dma_start3A_85 = tpu.memref_squeeze %dma_start3A_84 : memref<1x125x32xf32, #tpu.memory_space<vmem>> -> memref<125x32xf32, #tpu.memory_space<vmem>>
      %dma_start3A_86 = arith.constant 0 : i32
      %dma_start3A_87 = tpu.memref_slice %arg6[%add3A_80, %dma_start3A_86] : memref<40x125xi32, #tpu.memory_space<vmem>> -> memref<1x125xi32, #tpu.memory_space<vmem>>
      %dma_start3A_88 = tpu.memref_squeeze %dma_start3A_87 : memref<1x125xi32, #tpu.memory_space<vmem>> -> memref<125xi32, #tpu.memory_space<vmem>>
      %dma_start3A_89 = arith.constant 0 : i32
      %dma_start3A_90 = arith.constant 0 : i32
      %dma_start3A_91 = tpu.memref_slice %arg8[%dma_start3A_89, %dma_start3A_90] : memref<10240x32xf32, #tpu.memory_space<vmem_shared>> -> memref<10240x32xf32, #tpu.memory_space<vmem_shared>>
      tpu.enqueue_indirect_dma source(%dma_start3A_85 : memref<125x32xf32, #tpu.memory_space<vmem>>) target(%dma_start3A_91 : memref<10240x32xf32, #tpu.memory_space<vmem_shared>>) offsets(%dma_start3A_88 : memref<125xi32, #tpu.memory_space<vmem>>) semaphore(%arg9 : memref<!tpu.dma_semaphore, #tpu.memory_space<semaphore_mem>>) {add = true}
      %mul3A_92 = arith.constant 20 : i32
      %mul3A_93 = arith.muli %scan3A_15, %mul3A_92 : i32
      %add3A_94 = arith.constant 5 : i32
      %add3A_95 = arith.addi %mul3A_93, %add3A_94 : i32
      %dma_start3A_96 = arith.constant 5 : i32
      %dma_start3A_97 = arith.constant 0 : i32
      %dma_start3A_98 = arith.constant 0 : i32
      %dma_start3A_99 = tpu.memref_slice %arg7[%dma_start3A_96, %dma_start3A_97, %dma_start3A_98] : memref<20x125x32xf32, #tpu.memory_space<vmem>> -> memref<1x125x32xf32, #tpu.memory_space<vmem>>
      %dma_start3A_100 = tpu.memref_squeeze %dma_start3A_99 : memref<1x125x32xf32, #tpu.memory_space<vmem>> -> memref<125x32xf32, #tpu.memory_space<vmem>>
      %dma_start3A_101 = arith.constant 0 : i32
      %dma_start3A_102 = tpu.memref_slice %arg6[%add3A_95, %dma_start3A_101] : memref<40x125xi32, #tpu.memory_space<vmem>> -> memref<1x125xi32, #tpu.memory_space<vmem>>
      %dma_start3A_103 = tpu.memref_squeeze %dma_start3A_102 : memref<1x125xi32, #tpu.memory_space<vmem>> -> memref<125xi32, #tpu.memory_space<vmem>>
      %dma_start3A_104 = arith.constant 0 : i32
      %dma_start3A_105 = arith.constant 0 : i32
      %dma_start3A_106 = tpu.memref_slice %arg8[%dma_start3A_104, %dma_start3A_105] : memref<10240x32xf32, #tpu.memory_space<vmem_shared>> -> memref<10240x32xf32, #tpu.memory_space<vmem_shared>>
      tpu.enqueue_indirect_dma source(%dma_start3A_100 : memref<125x32xf32, #tpu.memory_space<vmem>>) target(%dma_start3A_106 : memref<10240x32xf32, #tpu.memory_space<vmem_shared>>) offsets(%dma_start3A_103 : memref<125xi32, #tpu.memory_space<vmem>>) semaphore(%arg9 : memref<!tpu.dma_semaphore, #tpu.memory_space<semaphore_mem>>) {add = true}
      %mul3A_107 = arith.constant 20 : i32
      %mul3A_108 = arith.muli %scan3A_15, %mul3A_107 : i32
      %add3A_109 = arith.constant 6 : i32
      %add3A_110 = arith.addi %mul3A_108, %add3A_109 : i32
      %dma_start3A_111 = arith.constant 6 : i32
      %dma_start3A_112 = arith.constant 0 : i32
      %dma_start3A_113 = arith.constant 0 : i32
      %dma_start3A_114 = tpu.memref_slice %arg7[%dma_start3A_111, %dma_start3A_112, %dma_start3A_113] : memref<20x125x32xf32, #tpu.memory_space<vmem>> -> memref<1x125x32xf32, #tpu.memory_space<vmem>>
      %dma_start3A_115 = tpu.memref_squeeze %dma_start3A_114 : memref<1x125x32xf32, #tpu.memory_space<vmem>> -> memref<125x32xf32, #tpu.memory_space<vmem>>
      %dma_start3A_116 = arith.constant 0 : i32
      %dma_start3A_117 = tpu.memref_slice %arg6[%add3A_110, %dma_start3A_116] : memref<40x125xi32, #tpu.memory_space<vmem>> -> memref<1x125xi32, #tpu.memory_space<vmem>>
      %dma_start3A_118 = tpu.memref_squeeze %dma_start3A_117 : memref<1x125xi32, #tpu.memory_space<vmem>> -> memref<125xi32, #tpu.memory_space<vmem>>
      %dma_start3A_119 = arith.constant 0 : i32
      %dma_start3A_120 = arith.constant 0 : i32
      %dma_start3A_121 = tpu.memref_slice %arg8[%dma_start3A_119, %dma_start3A_120] : memref<10240x32xf32, #tpu.memory_space<vmem_shared>> -> memref<10240x32xf32, #tpu.memory_space<vmem_shared>>
      tpu.enqueue_indirect_dma source(%dma_start3A_115 : memref<125x32xf32, #tpu.memory_space<vmem>>) target(%dma_start3A_121 : memref<10240x32xf32, #tpu.memory_space<vmem_shared>>) offsets(%dma_start3A_118 : memref<125xi32, #tpu.memory_space<vmem>>) semaphore(%arg9 : memref<!tpu.dma_semaphore, #tpu.memory_space<semaphore_mem>>) {add = true}
      %mul3A_122 = arith.constant 20 : i32
      %mul3A_123 = arith.muli %scan3A_15, %mul3A_122 : i32
      %add3A_124 = arith.constant 7 : i32
      %add3A_125 = arith.addi %mul3A_123, %add3A_124 : i32
      %dma_start3A_126 = arith.constant 7 : i32
      %dma_start3A_127 = arith.constant 0 : i32
      %dma_start3A_128 = arith.constant 0 : i32
      %dma_start3A_129 = tpu.memref_slice %arg7[%dma_start3A_126, %dma_start3A_127, %dma_start3A_128] : memref<20x125x32xf32, #tpu.memory_space<vmem>> -> memref<1x125x32xf32, #tpu.memory_space<vmem>>
      %dma_start3A_130 = tpu.memref_squeeze %dma_start3A_129 : memref<1x125x32xf32, #tpu.memory_space<vmem>> -> memref<125x32xf32, #tpu.memory_space<vmem>>
      %dma_start3A_131 = arith.constant 0 : i32
      %dma_start3A_132 = tpu.memref_slice %arg6[%add3A_125, %dma_start3A_131] : memref<40x125xi32, #tpu.memory_space<vmem>> -> memref<1x125xi32, #tpu.memory_space<vmem>>
      %dma_start3A_133 = tpu.memref_squeeze %dma_start3A_132 : memref<1x125xi32, #tpu.memory_space<vmem>> -> memref<125xi32, #tpu.memory_space<vmem>>
      %dma_start3A_134 = arith.constant 0 : i32
      %dma_start3A_135 = arith.constant 0 : i32
      %dma_start3A_136 = tpu.memref_slice %arg8[%dma_start3A_134, %dma_start3A_135] : memref<10240x32xf32, #tpu.memory_space<vmem_shared>> -> memref<10240x32xf32, #tpu.memory_space<vmem_shared>>
      tpu.enqueue_indirect_dma source(%dma_start3A_130 : memref<125x32xf32, #tpu.memory_space<vmem>>) target(%dma_start3A_136 : memref<10240x32xf32, #tpu.memory_space<vmem_shared>>) offsets(%dma_start3A_133 : memref<125xi32, #tpu.memory_space<vmem>>) semaphore(%arg9 : memref<!tpu.dma_semaphore, #tpu.memory_space<semaphore_mem>>) {add = true}
      %mul3A_137 = arith.constant 20 : i32
      %mul3A_138 = arith.muli %scan3A_15, %mul3A_137 : i32
      %add3A_139 = arith.constant 8 : i32
      %add3A_140 = arith.addi %mul3A_138, %add3A_139 : i32
      %dma_start3A_141 = arith.constant 8 : i32
      %dma_start3A_142 = arith.constant 0 : i32
      %dma_start3A_143 = arith.constant 0 : i32
      %dma_start3A_144 = tpu.memref_slice %arg7[%dma_start3A_141, %dma_start3A_142, %dma_start3A_143] : memref<20x125x32xf32, #tpu.memory_space<vmem>> -> memref<1x125x32xf32, #tpu.memory_space<vmem>>
      %dma_start3A_145 = tpu.memref_squeeze %dma_start3A_144 : memref<1x125x32xf32, #tpu.memory_space<vmem>> -> memref<125x32xf32, #tpu.memory_space<vmem>>
      %dma_start3A_146 = arith.constant 0 : i32
      %dma_start3A_147 = tpu.memref_slice %arg6[%add3A_140, %dma_start3A_146] : memref<40x125xi32, #tpu.memory_space<vmem>> -> memref<1x125xi32, #tpu.memory_space<vmem>>
      %dma_start3A_148 = tpu.memref_squeeze %dma_start3A_147 : memref<1x125xi32, #tpu.memory_space<vmem>> -> memref<125xi32, #tpu.memory_space<vmem>>
      %dma_start3A_149 = arith.constant 0 : i32
      %dma_start3A_150 = arith.constant 0 : i32
      %dma_start3A_151 = tpu.memref_slice %arg8[%dma_start3A_149, %dma_start3A_150] : memref<10240x32xf32, #tpu.memory_space<vmem_shared>> -> memref<10240x32xf32, #tpu.memory_space<vmem_shared>>
      tpu.enqueue_indirect_dma source(%dma_start3A_145 : memref<125x32xf32, #tpu.memory_space<vmem>>) target(%dma_start3A_151 : memref<10240x32xf32, #tpu.memory_space<vmem_shared>>) offsets(%dma_start3A_148 : memref<125xi32, #tpu.memory_space<vmem>>) semaphore(%arg9 : memref<!tpu.dma_semaphore, #tpu.memory_space<semaphore_mem>>) {add = true}
      %mul3A_152 = arith.constant 20 : i32
      %mul3A_153 = arith.muli %scan3A_15, %mul3A_152 : i32
      %add3A_154 = arith.constant 9 : i32
      %add3A_155 = arith.addi %mul3A_153, %add3A_154 : i32
      %dma_start3A_156 = arith.constant 9 : i32
      %dma_start3A_157 = arith.constant 0 : i32
      %dma_start3A_158 = arith.constant 0 : i32
      %dma_start3A_159 = tpu.memref_slice %arg7[%dma_start3A_156, %dma_start3A_157, %dma_start3A_158] : memref<20x125x32xf32, #tpu.memory_space<vmem>> -> memref<1x125x32xf32, #tpu.memory_space<vmem>>
      %dma_start3A_160 = tpu.memref_squeeze %dma_start3A_159 : memref<1x125x32xf32, #tpu.memory_space<vmem>> -> memref<125x32xf32, #tpu.memory_space<vmem>>
      %dma_start3A_161 = arith.constant 0 : i32
      %dma_start3A_162 = tpu.memref_slice %arg6[%add3A_155, %dma_start3A_161] : memref<40x125xi32, #tpu.memory_space<vmem>> -> memref<1x125xi32, #tpu.memory_space<vmem>>
      %dma_start3A_163 = tpu.memref_squeeze %dma_start3A_162 : memref<1x125xi32, #tpu.memory_space<vmem>> -> memref<125xi32, #tpu.memory_space<vmem>>
      %dma_start3A_164 = arith.constant 0 : i32
      %dma_start3A_165 = arith.constant 0 : i32
      %dma_start3A_166 = tpu.memref_slice %arg8[%dma_start3A_164, %dma_start3A_165] : memref<10240x32xf32, #tpu.memory_space<vmem_shared>> -> memref<10240x32xf32, #tpu.memory_space<vmem_shared>>
      tpu.enqueue_indirect_dma source(%dma_start3A_160 : memref<125x32xf32, #tpu.memory_space<vmem>>) target(%dma_start3A_166 : memref<10240x32xf32, #tpu.memory_space<vmem_shared>>) offsets(%dma_start3A_163 : memref<125xi32, #tpu.memory_space<vmem>>) semaphore(%arg9 : memref<!tpu.dma_semaphore, #tpu.memory_space<semaphore_mem>>) {add = true}
      %mul3A_167 = arith.constant 20 : i32
      %mul3A_168 = arith.muli %scan3A_15, %mul3A_167 : i32
      %add3A_169 = arith.constant 10 : i32
      %add3A_170 = arith.addi %mul3A_168, %add3A_169 : i32
      %dma_start3A_171 = arith.constant 10 : i32
      %dma_start3A_172 = arith.constant 0 : i32
      %dma_start3A_173 = arith.constant 0 : i32
      %dma_start3A_174 = tpu.memref_slice %arg7[%dma_start3A_171, %dma_start3A_172, %dma_start3A_173] : memref<20x125x32xf32, #tpu.memory_space<vmem>> -> memref<1x125x32xf32, #tpu.memory_space<vmem>>
      %dma_start3A_175 = tpu.memref_squeeze %dma_start3A_174 : memref<1x125x32xf32, #tpu.memory_space<vmem>> -> memref<125x32xf32, #tpu.memory_space<vmem>>
      %dma_start3A_176 = arith.constant 0 : i32
      %dma_start3A_177 = tpu.memref_slice %arg6[%add3A_170, %dma_start3A_176] : memref<40x125xi32, #tpu.memory_space<vmem>> -> memref<1x125xi32, #tpu.memory_space<vmem>>
      %dma_start3A_178 = tpu.memref_squeeze %dma_start3A_177 : memref<1x125xi32, #tpu.memory_space<vmem>> -> memref<125xi32, #tpu.memory_space<vmem>>
      %dma_start3A_179 = arith.constant 0 : i32
      %dma_start3A_180 = arith.constant 0 : i32
      %dma_start3A_181 = tpu.memref_slice %arg8[%dma_start3A_179, %dma_start3A_180] : memref<10240x32xf32, #tpu.memory_space<vmem_shared>> -> memref<10240x32xf32, #tpu.memory_space<vmem_shared>>
      tpu.enqueue_indirect_dma source(%dma_start3A_175 : memref<125x32xf32, #tpu.memory_space<vmem>>) target(%dma_start3A_181 : memref<10240x32xf32, #tpu.memory_space<vmem_shared>>) offsets(%dma_start3A_178 : memref<125xi32, #tpu.memory_space<vmem>>) semaphore(%arg9 : memref<!tpu.dma_semaphore, #tpu.memory_space<semaphore_mem>>) {add = true}
      %mul3A_182 = arith.constant 20 : i32
      %mul3A_183 = arith.muli %scan3A_15, %mul3A_182 : i32
      %add3A_184 = arith.constant 11 : i32
      %add3A_185 = arith.addi %mul3A_183, %add3A_184 : i32
      %dma_start3A_186 = arith.constant 11 : i32
      %dma_start3A_187 = arith.constant 0 : i32
      %dma_start3A_188 = arith.constant 0 : i32
      %dma_start3A_189 = tpu.memref_slice %arg7[%dma_start3A_186, %dma_start3A_187, %dma_start3A_188] : memref<20x125x32xf32, #tpu.memory_space<vmem>> -> memref<1x125x32xf32, #tpu.memory_space<vmem>>
      %dma_start3A_190 = tpu.memref_squeeze %dma_start3A_189 : memref<1x125x32xf32, #tpu.memory_space<vmem>> -> memref<125x32xf32, #tpu.memory_space<vmem>>
      %dma_start3A_191 = arith.constant 0 : i32
      %dma_start3A_192 = tpu.memref_slice %arg6[%add3A_185, %dma_start3A_191] : memref<40x125xi32, #tpu.memory_space<vmem>> -> memref<1x125xi32, #tpu.memory_space<vmem>>
      %dma_start3A_193 = tpu.memref_squeeze %dma_start3A_192 : memref<1x125xi32, #tpu.memory_space<vmem>> -> memref<125xi32, #tpu.memory_space<vmem>>
      %dma_start3A_194 = arith.constant 0 : i32
      %dma_start3A_195 = arith.constant 0 : i32
      %dma_start3A_196 = tpu.memref_slice %arg8[%dma_start3A_194, %dma_start3A_195] : memref<10240x32xf32, #tpu.memory_space<vmem_shared>> -> memref<10240x32xf32, #tpu.memory_space<vmem_shared>>
      tpu.enqueue_indirect_dma source(%dma_start3A_190 : memref<125x32xf32, #tpu.memory_space<vmem>>) target(%dma_start3A_196 : memref<10240x32xf32, #tpu.memory_space<vmem_shared>>) offsets(%dma_start3A_193 : memref<125xi32, #tpu.memory_space<vmem>>) semaphore(%arg9 : memref<!tpu.dma_semaphore, #tpu.memory_space<semaphore_mem>>) {add = true}
      %mul3A_197 = arith.constant 20 : i32
      %mul3A_198 = arith.muli %scan3A_15, %mul3A_197 : i32
      %add3A_199 = arith.constant 12 : i32
      %add3A_200 = arith.addi %mul3A_198, %add3A_199 : i32
      %dma_start3A_201 = arith.constant 12 : i32
      %dma_start3A_202 = arith.constant 0 : i32
      %dma_start3A_203 = arith.constant 0 : i32
      %dma_start3A_204 = tpu.memref_slice %arg7[%dma_start3A_201, %dma_start3A_202, %dma_start3A_203] : memref<20x125x32xf32, #tpu.memory_space<vmem>> -> memref<1x125x32xf32, #tpu.memory_space<vmem>>
      %dma_start3A_205 = tpu.memref_squeeze %dma_start3A_204 : memref<1x125x32xf32, #tpu.memory_space<vmem>> -> memref<125x32xf32, #tpu.memory_space<vmem>>
      %dma_start3A_206 = arith.constant 0 : i32
      %dma_start3A_207 = tpu.memref_slice %arg6[%add3A_200, %dma_start3A_206] : memref<40x125xi32, #tpu.memory_space<vmem>> -> memref<1x125xi32, #tpu.memory_space<vmem>>
      %dma_start3A_208 = tpu.memref_squeeze %dma_start3A_207 : memref<1x125xi32, #tpu.memory_space<vmem>> -> memref<125xi32, #tpu.memory_space<vmem>>
      %dma_start3A_209 = arith.constant 0 : i32
      %dma_start3A_210 = arith.constant 0 : i32
      %dma_start3A_211 = tpu.memref_slice %arg8[%dma_start3A_209, %dma_start3A_210] : memref<10240x32xf32, #tpu.memory_space<vmem_shared>> -> memref<10240x32xf32, #tpu.memory_space<vmem_shared>>
      tpu.enqueue_indirect_dma source(%dma_start3A_205 : memref<125x32xf32, #tpu.memory_space<vmem>>) target(%dma_start3A_211 : memref<10240x32xf32, #tpu.memory_space<vmem_shared>>) offsets(%dma_start3A_208 : memref<125xi32, #tpu.memory_space<vmem>>) semaphore(%arg9 : memref<!tpu.dma_semaphore, #tpu.memory_space<semaphore_mem>>) {add = true}
      %mul3A_212 = arith.constant 20 : i32
      %mul3A_213 = arith.muli %scan3A_15, %mul3A_212 : i32
      %add3A_214 = arith.constant 13 : i32
      %add3A_215 = arith.addi %mul3A_213, %add3A_214 : i32
      %dma_start3A_216 = arith.constant 13 : i32
      %dma_start3A_217 = arith.constant 0 : i32
      %dma_start3A_218 = arith.constant 0 : i32
      %dma_start3A_219 = tpu.memref_slice %arg7[%dma_start3A_216, %dma_start3A_217, %dma_start3A_218] : memref<20x125x32xf32, #tpu.memory_space<vmem>> -> memref<1x125x32xf32, #tpu.memory_space<vmem>>
      %dma_start3A_220 = tpu.memref_squeeze %dma_start3A_219 : memref<1x125x32xf32, #tpu.memory_space<vmem>> -> memref<125x32xf32, #tpu.memory_space<vmem>>
      %dma_start3A_221 = arith.constant 0 : i32
      %dma_start3A_222 = tpu.memref_slice %arg6[%add3A_215, %dma_start3A_221] : memref<40x125xi32, #tpu.memory_space<vmem>> -> memref<1x125xi32, #tpu.memory_space<vmem>>
      %dma_start3A_223 = tpu.memref_squeeze %dma_start3A_222 : memref<1x125xi32, #tpu.memory_space<vmem>> -> memref<125xi32, #tpu.memory_space<vmem>>
      %dma_start3A_224 = arith.constant 0 : i32
      %dma_start3A_225 = arith.constant 0 : i32
      %dma_start3A_226 = tpu.memref_slice %arg8[%dma_start3A_224, %dma_start3A_225] : memref<10240x32xf32, #tpu.memory_space<vmem_shared>> -> memref<10240x32xf32, #tpu.memory_space<vmem_shared>>
      tpu.enqueue_indirect_dma source(%dma_start3A_220 : memref<125x32xf32, #tpu.memory_space<vmem>>) target(%dma_start3A_226 : memref<10240x32xf32, #tpu.memory_space<vmem_shared>>) offsets(%dma_start3A_223 : memref<125xi32, #tpu.memory_space<vmem>>) semaphore(%arg9 : memref<!tpu.dma_semaphore, #tpu.memory_space<semaphore_mem>>) {add = true}
      %mul3A_227 = arith.constant 20 : i32
      %mul3A_228 = arith.muli %scan3A_15, %mul3A_227 : i32
      %add3A_229 = arith.constant 14 : i32
      %add3A_230 = arith.addi %mul3A_228, %add3A_229 : i32
      %dma_start3A_231 = arith.constant 14 : i32
      %dma_start3A_232 = arith.constant 0 : i32
      %dma_start3A_233 = arith.constant 0 : i32
      %dma_start3A_234 = tpu.memref_slice %arg7[%dma_start3A_231, %dma_start3A_232, %dma_start3A_233] : memref<20x125x32xf32, #tpu.memory_space<vmem>> -> memref<1x125x32xf32, #tpu.memory_space<vmem>>
      %dma_start3A_235 = tpu.memref_squeeze %dma_start3A_234 : memref<1x125x32xf32, #tpu.memory_space<vmem>> -> memref<125x32xf32, #tpu.memory_space<vmem>>
      %dma_start3A_236 = arith.constant 0 : i32
      %dma_start3A_237 = tpu.memref_slice %arg6[%add3A_230, %dma_start3A_236] : memref<40x125xi32, #tpu.memory_space<vmem>> -> memref<1x125xi32, #tpu.memory_space<vmem>>
      %dma_start3A_238 = tpu.memref_squeeze %dma_start3A_237 : memref<1x125xi32, #tpu.memory_space<vmem>> -> memref<125xi32, #tpu.memory_space<vmem>>
      %dma_start3A_239 = arith.constant 0 : i32
      %dma_start3A_240 = arith.constant 0 : i32
      %dma_start3A_241 = tpu.memref_slice %arg8[%dma_start3A_239, %dma_start3A_240] : memref<10240x32xf32, #tpu.memory_space<vmem_shared>> -> memref<10240x32xf32, #tpu.memory_space<vmem_shared>>
      tpu.enqueue_indirect_dma source(%dma_start3A_235 : memref<125x32xf32, #tpu.memory_space<vmem>>) target(%dma_start3A_241 : memref<10240x32xf32, #tpu.memory_space<vmem_shared>>) offsets(%dma_start3A_238 : memref<125xi32, #tpu.memory_space<vmem>>) semaphore(%arg9 : memref<!tpu.dma_semaphore, #tpu.memory_space<semaphore_mem>>) {add = true}
      %mul3A_242 = arith.constant 20 : i32
      %mul3A_243 = arith.muli %scan3A_15, %mul3A_242 : i32
      %add3A_244 = arith.constant 15 : i32
      %add3A_245 = arith.addi %mul3A_243, %add3A_244 : i32
      %dma_start3A_246 = arith.constant 15 : i32
      %dma_start3A_247 = arith.constant 0 : i32
      %dma_start3A_248 = arith.constant 0 : i32
      %dma_start3A_249 = tpu.memref_slice %arg7[%dma_start3A_246, %dma_start3A_247, %dma_start3A_248] : memref<20x125x32xf32, #tpu.memory_space<vmem>> -> memref<1x125x32xf32, #tpu.memory_space<vmem>>
      %dma_start3A_250 = tpu.memref_squeeze %dma_start3A_249 : memref<1x125x32xf32, #tpu.memory_space<vmem>> -> memref<125x32xf32, #tpu.memory_space<vmem>>
      %dma_start3A_251 = arith.constant 0 : i32
      %dma_start3A_252 = tpu.memref_slice %arg6[%add3A_245, %dma_start3A_251] : memref<40x125xi32, #tpu.memory_space<vmem>> -> memref<1x125xi32, #tpu.memory_space<vmem>>
      %dma_start3A_253 = tpu.memref_squeeze %dma_start3A_252 : memref<1x125xi32, #tpu.memory_space<vmem>> -> memref<125xi32, #tpu.memory_space<vmem>>
      %dma_start3A_254 = arith.constant 0 : i32
      %dma_start3A_255 = arith.constant 0 : i32
      %dma_start3A_256 = tpu.memref_slice %arg8[%dma_start3A_254, %dma_start3A_255] : memref<10240x32xf32, #tpu.memory_space<vmem_shared>> -> memref<10240x32xf32, #tpu.memory_space<vmem_shared>>
      tpu.enqueue_indirect_dma source(%dma_start3A_250 : memref<125x32xf32, #tpu.memory_space<vmem>>) target(%dma_start3A_256 : memref<10240x32xf32, #tpu.memory_space<vmem_shared>>) offsets(%dma_start3A_253 : memref<125xi32, #tpu.memory_space<vmem>>) semaphore(%arg9 : memref<!tpu.dma_semaphore, #tpu.memory_space<semaphore_mem>>) {add = true}
      %mul3A_257 = arith.constant 20 : i32
      %mul3A_258 = arith.muli %scan3A_15, %mul3A_257 : i32
      %add3A_259 = arith.constant 16 : i32
      %add3A_260 = arith.addi %mul3A_258, %add3A_259 : i32
      %dma_start3A_261 = arith.constant 16 : i32
      %dma_start3A_262 = arith.constant 0 : i32
      %dma_start3A_263 = arith.constant 0 : i32
      %dma_start3A_264 = tpu.memref_slice %arg7[%dma_start3A_261, %dma_start3A_262, %dma_start3A_263] : memref<20x125x32xf32, #tpu.memory_space<vmem>> -> memref<1x125x32xf32, #tpu.memory_space<vmem>>
      %dma_start3A_265 = tpu.memref_squeeze %dma_start3A_264 : memref<1x125x32xf32, #tpu.memory_space<vmem>> -> memref<125x32xf32, #tpu.memory_space<vmem>>
      %dma_start3A_266 = arith.constant 0 : i32
      %dma_start3A_267 = tpu.memref_slice %arg6[%add3A_260, %dma_start3A_266] : memref<40x125xi32, #tpu.memory_space<vmem>> -> memref<1x125xi32, #tpu.memory_space<vmem>>
      %dma_start3A_268 = tpu.memref_squeeze %dma_start3A_267 : memref<1x125xi32, #tpu.memory_space<vmem>> -> memref<125xi32, #tpu.memory_space<vmem>>
      %dma_start3A_269 = arith.constant 0 : i32
      %dma_start3A_270 = arith.constant 0 : i32
      %dma_start3A_271 = tpu.memref_slice %arg8[%dma_start3A_269, %dma_start3A_270] : memref<10240x32xf32, #tpu.memory_space<vmem_shared>> -> memref<10240x32xf32, #tpu.memory_space<vmem_shared>>
      tpu.enqueue_indirect_dma source(%dma_start3A_265 : memref<125x32xf32, #tpu.memory_space<vmem>>) target(%dma_start3A_271 : memref<10240x32xf32, #tpu.memory_space<vmem_shared>>) offsets(%dma_start3A_268 : memref<125xi32, #tpu.memory_space<vmem>>) semaphore(%arg9 : memref<!tpu.dma_semaphore, #tpu.memory_space<semaphore_mem>>) {add = true}
      %mul3A_272 = arith.constant 20 : i32
      %mul3A_273 = arith.muli %scan3A_15, %mul3A_272 : i32
      %add3A_274 = arith.constant 17 : i32
      %add3A_275 = arith.addi %mul3A_273, %add3A_274 : i32
      %dma_start3A_276 = arith.constant 17 : i32
      %dma_start3A_277 = arith.constant 0 : i32
      %dma_start3A_278 = arith.constant 0 : i32
      %dma_start3A_279 = tpu.memref_slice %arg7[%dma_start3A_276, %dma_start3A_277, %dma_start3A_278] : memref<20x125x32xf32, #tpu.memory_space<vmem>> -> memref<1x125x32xf32, #tpu.memory_space<vmem>>
      %dma_start3A_280 = tpu.memref_squeeze %dma_start3A_279 : memref<1x125x32xf32, #tpu.memory_space<vmem>> -> memref<125x32xf32, #tpu.memory_space<vmem>>
      %dma_start3A_281 = arith.constant 0 : i32
      %dma_start3A_282 = tpu.memref_slice %arg6[%add3A_275, %dma_start3A_281] : memref<40x125xi32, #tpu.memory_space<vmem>> -> memref<1x125xi32, #tpu.memory_space<vmem>>
      %dma_start3A_283 = tpu.memref_squeeze %dma_start3A_282 : memref<1x125xi32, #tpu.memory_space<vmem>> -> memref<125xi32, #tpu.memory_space<vmem>>
      %dma_start3A_284 = arith.constant 0 : i32
      %dma_start3A_285 = arith.constant 0 : i32
      %dma_start3A_286 = tpu.memref_slice %arg8[%dma_start3A_284, %dma_start3A_285] : memref<10240x32xf32, #tpu.memory_space<vmem_shared>> -> memref<10240x32xf32, #tpu.memory_space<vmem_shared>>
      tpu.enqueue_indirect_dma source(%dma_start3A_280 : memref<125x32xf32, #tpu.memory_space<vmem>>) target(%dma_start3A_286 : memref<10240x32xf32, #tpu.memory_space<vmem_shared>>) offsets(%dma_start3A_283 : memref<125xi32, #tpu.memory_space<vmem>>) semaphore(%arg9 : memref<!tpu.dma_semaphore, #tpu.memory_space<semaphore_mem>>) {add = true}
      %mul3A_287 = arith.constant 20 : i32
      %mul3A_288 = arith.muli %scan3A_15, %mul3A_287 : i32
      %add3A_289 = arith.constant 18 : i32
      %add3A_290 = arith.addi %mul3A_288, %add3A_289 : i32
      %dma_start3A_291 = arith.constant 18 : i32
      %dma_start3A_292 = arith.constant 0 : i32
      %dma_start3A_293 = arith.constant 0 : i32
      %dma_start3A_294 = tpu.memref_slice %arg7[%dma_start3A_291, %dma_start3A_292, %dma_start3A_293] : memref<20x125x32xf32, #tpu.memory_space<vmem>> -> memref<1x125x32xf32, #tpu.memory_space<vmem>>
      %dma_start3A_295 = tpu.memref_squeeze %dma_start3A_294 : memref<1x125x32xf32, #tpu.memory_space<vmem>> -> memref<125x32xf32, #tpu.memory_space<vmem>>
      %dma_start3A_296 = arith.constant 0 : i32
      %dma_start3A_297 = tpu.memref_slice %arg6[%add3A_290, %dma_start3A_296] : memref<40x125xi32, #tpu.memory_space<vmem>> -> memref<1x125xi32, #tpu.memory_space<vmem>>
      %dma_start3A_298 = tpu.memref_squeeze %dma_start3A_297 : memref<1x125xi32, #tpu.memory_space<vmem>> -> memref<125xi32, #tpu.memory_space<vmem>>
      %dma_start3A_299 = arith.constant 0 : i32
      %dma_start3A_300 = arith.constant 0 : i32
      %dma_start3A_301 = tpu.memref_slice %arg8[%dma_start3A_299, %dma_start3A_300] : memref<10240x32xf32, #tpu.memory_space<vmem_shared>> -> memref<10240x32xf32, #tpu.memory_space<vmem_shared>>
      tpu.enqueue_indirect_dma source(%dma_start3A_295 : memref<125x32xf32, #tpu.memory_space<vmem>>) target(%dma_start3A_301 : memref<10240x32xf32, #tpu.memory_space<vmem_shared>>) offsets(%dma_start3A_298 : memref<125xi32, #tpu.memory_space<vmem>>) semaphore(%arg9 : memref<!tpu.dma_semaphore, #tpu.memory_space<semaphore_mem>>) {add = true}
      %mul3A_302 = arith.constant 20 : i32
      %mul3A_303 = arith.muli %scan3A_15, %mul3A_302 : i32
      %add3A_304 = arith.constant 19 : i32
      %add3A_305 = arith.addi %mul3A_303, %add3A_304 : i32
      %dma_start3A_306 = arith.constant 19 : i32
      %dma_start3A_307 = arith.constant 0 : i32
      %dma_start3A_308 = arith.constant 0 : i32
      %dma_start3A_309 = tpu.memref_slice %arg7[%dma_start3A_306, %dma_start3A_307, %dma_start3A_308] : memref<20x125x32xf32, #tpu.memory_space<vmem>> -> memref<1x125x32xf32, #tpu.memory_space<vmem>>
      %dma_start3A_310 = tpu.memref_squeeze %dma_start3A_309 : memref<1x125x32xf32, #tpu.memory_space<vmem>> -> memref<125x32xf32, #tpu.memory_space<vmem>>
      %dma_start3A_311 = arith.constant 0 : i32
      %dma_start3A_312 = tpu.memref_slice %arg6[%add3A_305, %dma_start3A_311] : memref<40x125xi32, #tpu.memory_space<vmem>> -> memref<1x125xi32, #tpu.memory_space<vmem>>
      %dma_start3A_313 = tpu.memref_squeeze %dma_start3A_312 : memref<1x125xi32, #tpu.memory_space<vmem>> -> memref<125xi32, #tpu.memory_space<vmem>>
      %dma_start3A_314 = arith.constant 0 : i32
      %dma_start3A_315 = arith.constant 0 : i32
      %dma_start3A_316 = tpu.memref_slice %arg8[%dma_start3A_314, %dma_start3A_315] : memref<10240x32xf32, #tpu.memory_space<vmem_shared>> -> memref<10240x32xf32, #tpu.memory_space<vmem_shared>>
      tpu.enqueue_indirect_dma source(%dma_start3A_310 : memref<125x32xf32, #tpu.memory_space<vmem>>) target(%dma_start3A_316 : memref<10240x32xf32, #tpu.memory_space<vmem_shared>>) offsets(%dma_start3A_313 : memref<125xi32, #tpu.memory_space<vmem>>) semaphore(%arg9 : memref<!tpu.dma_semaphore, #tpu.memory_space<semaphore_mem>>) {add = true}
      %dma_wait3A = arith.constant 0 : i32
      %dma_wait3A_317 = arith.constant 0 : i32
      %dma_wait3A_318 = arith.constant 0 : i32
      %dma_wait3A_319 = tpu.memref_slice %arg2[%add3A, %dma_wait3A, %dma_wait3A_317, %dma_wait3A_318] : memref<32x40x125x32xf32, #tpu.memory_space<hbm>> -> memref<1x40x125x32xf32, #tpu.memory_space<hbm>>
      %dma_wait3A_320 = tpu.memref_squeeze %dma_wait3A_319 : memref<1x40x125x32xf32, #tpu.memory_space<hbm>> -> memref<40x125x32xf32, #tpu.memory_space<hbm>>
      %dma_wait3A_321 = arith.constant 0 : i32
      %dma_wait3A_322 = arith.constant 0 : i32
      %dma_wait3A_323 = tpu.memref_slice %dma_wait3A_320[%mul3A_17, %dma_wait3A_321, %dma_wait3A_322] : memref<40x125x32xf32, #tpu.memory_space<hbm>> -> memref<20x125x32xf32, #tpu.memory_space<hbm>>
      %dma_wait3A_324 = arith.constant 0 : i32
      %dma_wait3A_325 = arith.constant 0 : i32
      %dma_wait3A_326 = arith.constant 0 : i32
      %dma_wait3A_327 = tpu.memref_slice %arg2[%add3A, %dma_wait3A_324, %dma_wait3A_325, %dma_wait3A_326] : memref<32x40x125x32xf32, #tpu.memory_space<hbm>> -> memref<1x40x125x32xf32, #tpu.memory_space<hbm>>
      %dma_wait3A_328 = tpu.memref_squeeze %dma_wait3A_327 : memref<1x40x125x32xf32, #tpu.memory_space<hbm>> -> memref<40x125x32xf32, #tpu.memory_space<hbm>>
      %dma_wait3A_329 = arith.constant 0 : i32
      %dma_wait3A_330 = arith.constant 0 : i32
      %dma_wait3A_331 = tpu.memref_slice %dma_wait3A_328[%mul3A_17, %dma_wait3A_329, %dma_wait3A_330] : memref<40x125x32xf32, #tpu.memory_space<hbm>> -> memref<20x125x32xf32, #tpu.memory_space<hbm>>
      tpu.wait_dma2 semaphore(%arg9 : memref<!tpu.dma_semaphore, #tpu.memory_space<semaphore_mem>>) src(%dma_wait3A_331 : memref<20x125x32xf32, #tpu.memory_space<hbm>>) dst(%arg7 : memref<20x125x32xf32, #tpu.memory_space<vmem>>)
    }
    %scan3A_9 = arith.constant 2 : i32
    %barrier3A_10 = arith.constant 0 : index
    tpu.barrier barrier_id(%barrier3A_10)
    %mul3A_11 = arith.constant 640 : i32
    %mul3A_12 = arith.muli %arg1, %mul3A_11 : i32
    %mul3A_13 = arith.constant 640 : i32
    %mul3A_14 = arith.muli %arg1, %mul3A_13 : i32
    "tpu.region"() ({
      %run_scoped3A = tpu.sem_alloc : memref<!tpu.dma_semaphore, #tpu.memory_space<semaphore_mem>>
      %dma_start3A = arith.constant 0 : i32
      %dma_start3A_15 = arith.constant 0 : i32
      %dma_start3A_16 = tpu.memref_slice %arg5[%arg0, %dma_start3A, %dma_start3A_15] : memref<2x10240x32xf32, #tpu.memory_space<hbm>> -> memref<1x10240x32xf32, #tpu.memory_space<hbm>>
      %dma_start3A_17 = tpu.memref_squeeze %dma_start3A_16 : memref<1x10240x32xf32, #tpu.memory_space<hbm>> -> memref<10240x32xf32, #tpu.memory_space<hbm>>
      %dma_start3A_18 = arith.constant 0 : i32
      %dma_start3A_19 = tpu.memref_slice %dma_start3A_17[%mul3A_14, %dma_start3A_18] : memref<10240x32xf32, #tpu.memory_space<hbm>> -> memref<640x32xf32, #tpu.memory_space<hbm>>
      %dma_start3A_20 = arith.constant 0 : i32
      %dma_start3A_21 = tpu.memref_slice %arg8[%mul3A_12, %dma_start3A_20] : memref<10240x32xf32, #tpu.memory_space<vmem_shared>> -> memref<640x32xf32, #tpu.memory_space<vmem_shared>>
      tpu.enqueue_dma source(%dma_start3A_21 : memref<640x32xf32, #tpu.memory_space<vmem_shared>>) target(%dma_start3A_19 : memref<640x32xf32, #tpu.memory_space<hbm>>) target_semaphore(%run_scoped3A : memref<!tpu.dma_semaphore, #tpu.memory_space<semaphore_mem>>)
      %dma_wait3A = arith.constant 0 : i32
      %dma_wait3A_22 = arith.constant 0 : i32
      %dma_wait3A_23 = tpu.memref_slice %arg5[%arg0, %dma_wait3A, %dma_wait3A_22] : memref<2x10240x32xf32, #tpu.memory_space<hbm>> -> memref<1x10240x32xf32, #tpu.memory_space<hbm>>
      %dma_wait3A_24 = tpu.memref_squeeze %dma_wait3A_23 : memref<1x10240x32xf32, #tpu.memory_space<hbm>> -> memref<10240x32xf32, #tpu.memory_space<hbm>>
      %dma_wait3A_25 = arith.constant 0 : i32
      %dma_wait3A_26 = tpu.memref_slice %dma_wait3A_24[%mul3A_14, %dma_wait3A_25] : memref<10240x32xf32, #tpu.memory_space<hbm>> -> memref<640x32xf32, #tpu.memory_space<hbm>>
      %dma_wait3A_27 = arith.constant 0 : i32
      %dma_wait3A_28 = tpu.memref_slice %arg8[%mul3A_12, %dma_wait3A_27] : memref<10240x32xf32, #tpu.memory_space<vmem_shared>> -> memref<640x32xf32, #tpu.memory_space<vmem_shared>>
      tpu.wait_dma2 semaphore(%run_scoped3A : memref<!tpu.dma_semaphore, #tpu.memory_space<semaphore_mem>>) src(%dma_wait3A_28 : memref<640x32xf32, #tpu.memory_space<vmem_shared>>) dst(%dma_wait3A_26 : memref<640x32xf32, #tpu.memory_space<hbm>>)
      tpu.yield
    }) : () -> ()
    return
  }
}

#map = affine_map<(d0, d1) -> (0, 0)>
#map1 = affine_map<(d0, d1) -> (0, 0, 0)>
#map2 = affine_map<(d0, d1) -> (0, 0, 0, 0)>
module attributes {stable_mosaic.version = 14 : i64} {
  func.func @_gather_body(%arg0: i32, %arg1: i32, %arg2: memref<10000x16xf32, #tpu.memory_space<hbm>>, %arg3: memref<32x40x125xi32, #tpu.memory_space<hbm>>, %arg4: memref<32x40x125x16xf32, #tpu.memory_space<hbm>>, %arg5: memref<40x125xi32, #tpu.memory_space<vmem>>, %arg6: memref<40x125x16xf32, #tpu.memory_space<vmem>>, %arg7: memref<!tpu.dma_semaphore, #tpu.memory_space<semaphore_mem>>) attributes {dimension_semantics = [#tpu.dimension_semantics<core_parallel>, #tpu.dimension_semantics<subcore_parallel>], iteration_bounds = array<i64: 2, 16>, scalar_prefetch = 0 : i64, scratch_operands = 3 : i64, tpu.core_type = #tpu.core_type<sc_vector_subcore>, window_params = [{transform_indices = #map}, {transform_indices = #map1}, {transform_indices = #map2}]} {
    %mul3A = arith.constant 2 : i32
    %mul3A_0 = arith.muli %arg1, %mul3A : i32
    %add3A = arith.addi %mul3A_0, %arg0 : i32
    "tpu.region"() ({
      %run_scoped3A = tpu.sem_alloc : memref<!tpu.dma_semaphore, #tpu.memory_space<semaphore_mem>>
      %dma_start3A = arith.constant 0 : i32
      %dma_start3A_15 = arith.constant 0 : i32
      %dma_start3A_16 = tpu.memref_slice %arg3[%add3A, %dma_start3A, %dma_start3A_15] : memref<32x40x125xi32, #tpu.memory_space<hbm>> -> memref<1x40x125xi32, #tpu.memory_space<hbm>>
      %dma_start3A_17 = tpu.memref_squeeze %dma_start3A_16 : memref<1x40x125xi32, #tpu.memory_space<hbm>> -> memref<40x125xi32, #tpu.memory_space<hbm>>
      %dma_start3A_18 = arith.constant 0 : i32
      %dma_start3A_19 = arith.constant 0 : i32
      %dma_start3A_20 = tpu.memref_slice %arg3[%add3A, %dma_start3A_18, %dma_start3A_19] : memref<32x40x125xi32, #tpu.memory_space<hbm>> -> memref<1x40x125xi32, #tpu.memory_space<hbm>>
      %dma_start3A_21 = tpu.memref_squeeze %dma_start3A_20 : memref<1x40x125xi32, #tpu.memory_space<hbm>> -> memref<40x125xi32, #tpu.memory_space<hbm>>
      tpu.enqueue_dma source(%dma_start3A_21 : memref<40x125xi32, #tpu.memory_space<hbm>>) target(%arg5 : memref<40x125xi32, #tpu.memory_space<vmem>>) target_semaphore(%run_scoped3A : memref<!tpu.dma_semaphore, #tpu.memory_space<semaphore_mem>>)
      %dma_wait3A_22 = arith.constant 0 : i32
      %dma_wait3A_23 = arith.constant 0 : i32
      %dma_wait3A_24 = tpu.memref_slice %arg3[%add3A, %dma_wait3A_22, %dma_wait3A_23] : memref<32x40x125xi32, #tpu.memory_space<hbm>> -> memref<1x40x125xi32, #tpu.memory_space<hbm>>
      %dma_wait3A_25 = tpu.memref_squeeze %dma_wait3A_24 : memref<1x40x125xi32, #tpu.memory_space<hbm>> -> memref<40x125xi32, #tpu.memory_space<hbm>>
      %dma_wait3A_26 = arith.constant 0 : i32
      %dma_wait3A_27 = arith.constant 0 : i32
      %dma_wait3A_28 = tpu.memref_slice %arg3[%add3A, %dma_wait3A_26, %dma_wait3A_27] : memref<32x40x125xi32, #tpu.memory_space<hbm>> -> memref<1x40x125xi32, #tpu.memory_space<hbm>>
      %dma_wait3A_29 = tpu.memref_squeeze %dma_wait3A_28 : memref<1x40x125xi32, #tpu.memory_space<hbm>> -> memref<40x125xi32, #tpu.memory_space<hbm>>
      tpu.wait_dma2 semaphore(%run_scoped3A : memref<!tpu.dma_semaphore, #tpu.memory_space<semaphore_mem>>) src(%dma_wait3A_29 : memref<40x125xi32, #tpu.memory_space<hbm>>) dst(%arg5 : memref<40x125xi32, #tpu.memory_space<vmem>>)
      tpu.yield
    }) : () -> ()
    %scan3A = arith.constant 0 : i32
    %scan3A_1 = arith.constant 0 : i32
    %scan3A_2 = arith.constant 40 : i32
    %scan3A_3 = arith.addi %scan3A_1, %scan3A_2 : i32
    %scan3A_4 = arith.constant 1 : i32
    scf.for %scan3A_15 = %scan3A_1 to %scan3A_3 step %scan3A_4  : i32 {
      %dma_start3A = arith.constant 0 : i32
      %dma_start3A_16 = arith.constant 0 : i32
      %dma_start3A_17 = tpu.memref_slice %arg6[%scan3A_15, %dma_start3A, %dma_start3A_16] : memref<40x125x16xf32, #tpu.memory_space<vmem>> -> memref<1x125x16xf32, #tpu.memory_space<vmem>>
      %dma_start3A_18 = tpu.memref_squeeze %dma_start3A_17 : memref<1x125x16xf32, #tpu.memory_space<vmem>> -> memref<125x16xf32, #tpu.memory_space<vmem>>
      %dma_start3A_19 = arith.constant 0 : i32
      %dma_start3A_20 = tpu.memref_slice %arg5[%scan3A_15, %dma_start3A_19] : memref<40x125xi32, #tpu.memory_space<vmem>> -> memref<1x125xi32, #tpu.memory_space<vmem>>
      %dma_start3A_21 = tpu.memref_squeeze %dma_start3A_20 : memref<1x125xi32, #tpu.memory_space<vmem>> -> memref<125xi32, #tpu.memory_space<vmem>>
      %dma_start3A_22 = arith.constant 0 : i32
      %dma_start3A_23 = arith.constant 0 : i32
      %dma_start3A_24 = tpu.memref_slice %arg2[%dma_start3A_22, %dma_start3A_23] : memref<10000x16xf32, #tpu.memory_space<hbm>> -> memref<10000x16xf32, #tpu.memory_space<hbm>>
      tpu.enqueue_indirect_dma source(%dma_start3A_24 : memref<10000x16xf32, #tpu.memory_space<hbm>>) target(%dma_start3A_18 : memref<125x16xf32, #tpu.memory_space<vmem>>) offsets(%dma_start3A_21 : memref<125xi32, #tpu.memory_space<vmem>>) semaphore(%arg7 : memref<!tpu.dma_semaphore, #tpu.memory_space<semaphore_mem>>)
    }
    %scan3A_5 = arith.constant 40 : i32
    %dma_wait3A = arith.constant 0 : i32
    %dma_wait3A_6 = arith.constant 0 : i32
    %dma_wait3A_7 = arith.constant 0 : i32
    %dma_wait3A_8 = tpu.memref_slice %arg4[%add3A, %dma_wait3A, %dma_wait3A_6, %dma_wait3A_7] : memref<32x40x125x16xf32, #tpu.memory_space<hbm>> -> memref<1x40x125x16xf32, #tpu.memory_space<hbm>>
    %dma_wait3A_9 = tpu.memref_squeeze %dma_wait3A_8 : memref<1x40x125x16xf32, #tpu.memory_space<hbm>> -> memref<40x125x16xf32, #tpu.memory_space<hbm>>
    %dma_wait3A_10 = arith.constant 0 : i32
    %dma_wait3A_11 = arith.constant 0 : i32
    %dma_wait3A_12 = arith.constant 0 : i32
    %dma_wait3A_13 = tpu.memref_slice %arg4[%add3A, %dma_wait3A_10, %dma_wait3A_11, %dma_wait3A_12] : memref<32x40x125x16xf32, #tpu.memory_space<hbm>> -> memref<1x40x125x16xf32, #tpu.memory_space<hbm>>
    %dma_wait3A_14 = tpu.memref_squeeze %dma_wait3A_13 : memref<1x40x125x16xf32, #tpu.memory_space<hbm>> -> memref<40x125x16xf32, #tpu.memory_space<hbm>>
    tpu.wait_dma2 semaphore(%arg7 : memref<!tpu.dma_semaphore, #tpu.memory_space<semaphore_mem>>) src(%dma_wait3A_14 : memref<40x125x16xf32, #tpu.memory_space<hbm>>) dst(%arg6 : memref<40x125x16xf32, #tpu.memory_space<vmem>>)
    "tpu.region"() ({
      %run_scoped3A = tpu.sem_alloc : memref<!tpu.dma_semaphore, #tpu.memory_space<semaphore_mem>>
      %dma_start3A = arith.constant 0 : i32
      %dma_start3A_15 = arith.constant 0 : i32
      %dma_start3A_16 = arith.constant 0 : i32
      %dma_start3A_17 = tpu.memref_slice %arg4[%add3A, %dma_start3A, %dma_start3A_15, %dma_start3A_16] : memref<32x40x125x16xf32, #tpu.memory_space<hbm>> -> memref<1x40x125x16xf32, #tpu.memory_space<hbm>>
      %dma_start3A_18 = tpu.memref_squeeze %dma_start3A_17 : memref<1x40x125x16xf32, #tpu.memory_space<hbm>> -> memref<40x125x16xf32, #tpu.memory_space<hbm>>
      %dma_start3A_19 = arith.constant 0 : i32
      %dma_start3A_20 = arith.constant 0 : i32
      %dma_start3A_21 = arith.constant 0 : i32
      %dma_start3A_22 = tpu.memref_slice %arg4[%add3A, %dma_start3A_19, %dma_start3A_20, %dma_start3A_21] : memref<32x40x125x16xf32, #tpu.memory_space<hbm>> -> memref<1x40x125x16xf32, #tpu.memory_space<hbm>>
      %dma_start3A_23 = tpu.memref_squeeze %dma_start3A_22 : memref<1x40x125x16xf32, #tpu.memory_space<hbm>> -> memref<40x125x16xf32, #tpu.memory_space<hbm>>
      tpu.enqueue_dma source(%arg6 : memref<40x125x16xf32, #tpu.memory_space<vmem>>) target(%dma_start3A_23 : memref<40x125x16xf32, #tpu.memory_space<hbm>>) target_semaphore(%run_scoped3A : memref<!tpu.dma_semaphore, #tpu.memory_space<semaphore_mem>>)
      %dma_wait3A_24 = arith.constant 0 : i32
      %dma_wait3A_25 = arith.constant 0 : i32
      %dma_wait3A_26 = arith.constant 0 : i32
      %dma_wait3A_27 = tpu.memref_slice %arg4[%add3A, %dma_wait3A_24, %dma_wait3A_25, %dma_wait3A_26] : memref<32x40x125x16xf32, #tpu.memory_space<hbm>> -> memref<1x40x125x16xf32, #tpu.memory_space<hbm>>
      %dma_wait3A_28 = tpu.memref_squeeze %dma_wait3A_27 : memref<1x40x125x16xf32, #tpu.memory_space<hbm>> -> memref<40x125x16xf32, #tpu.memory_space<hbm>>
      %dma_wait3A_29 = arith.constant 0 : i32
      %dma_wait3A_30 = arith.constant 0 : i32
      %dma_wait3A_31 = arith.constant 0 : i32
      %dma_wait3A_32 = tpu.memref_slice %arg4[%add3A, %dma_wait3A_29, %dma_wait3A_30, %dma_wait3A_31] : memref<32x40x125x16xf32, #tpu.memory_space<hbm>> -> memref<1x40x125x16xf32, #tpu.memory_space<hbm>>
      %dma_wait3A_33 = tpu.memref_squeeze %dma_wait3A_32 : memref<1x40x125x16xf32, #tpu.memory_space<hbm>> -> memref<40x125x16xf32, #tpu.memory_space<hbm>>
      tpu.wait_dma2 semaphore(%run_scoped3A : memref<!tpu.dma_semaphore, #tpu.memory_space<semaphore_mem>>) src(%arg6 : memref<40x125x16xf32, #tpu.memory_space<vmem>>) dst(%dma_wait3A_33 : memref<40x125x16xf32, #tpu.memory_space<hbm>>)
      tpu.yield
    }) : () -> ()
    return
  }
}

module attributes {stable_mosaic.version = 14 : i64} {
  func.func @_edge_tc_body(%arg0: i32, %arg1: memref<2000x512xbf16, #tpu.memory_space<vmem>>, %arg2: memref<2000x128xf32, #tpu.memory_space<vmem>>, %arg3: memref<2000x8xf32, #tpu.memory_space<vmem>>, %arg4: memref<512x512xbf16, #tpu.memory_space<vmem>>, %arg5: memref<1x512xbf16, #tpu.memory_space<vmem>>, %arg6: memref<256x1024xbf16, #tpu.memory_space<vmem>>, %arg7: memref<256x1024xbf16, #tpu.memory_space<vmem>>, %arg8: memref<1x1024xbf16, #tpu.memory_space<vmem>>, %arg9: memref<1x1024xbf16, #tpu.memory_space<vmem>>, %arg10: memref<128x2048xbf16, #tpu.memory_space<vmem>>, %arg11: memref<1024x256xbf16, #tpu.memory_space<vmem>>, %arg12: memref<1024x256xbf16, #tpu.memory_space<vmem>>, %arg13: memref<2000x256xf32, #tpu.memory_space<vmem>>) attributes {dimension_semantics = [#tpu.dimension_semantics<arbitrary>], iteration_bounds = array<i64: 10>, scalar_prefetch = 0 : i64, scratch_operands = 0 : i64, tpu.core_type = #tpu.core_type<tc>, window_params = [{transform_indices = @transform_0, window_bounds = array<i64: 2000, 512>}, {transform_indices = @transform_1, window_bounds = array<i64: 2000, 128>}, {transform_indices = @transform_2, window_bounds = array<i64: 2000, 8>}, {pipeline_mode = #tpu.pipeline_mode<synchronous>, transform_indices = @transform_3, window_bounds = array<i64: 512, 512>}, {pipeline_mode = #tpu.pipeline_mode<synchronous>, transform_indices = @transform_4, window_bounds = array<i64: 1, 512>}, {pipeline_mode = #tpu.pipeline_mode<synchronous>, transform_indices = @transform_5, window_bounds = array<i64: 256, 1024>}, {pipeline_mode = #tpu.pipeline_mode<synchronous>, transform_indices = @transform_6, window_bounds = array<i64: 256, 1024>}, {pipeline_mode = #tpu.pipeline_mode<synchronous>, transform_indices = @transform_7, window_bounds = array<i64: 1, 1024>}, {pipeline_mode = #tpu.pipeline_mode<synchronous>, transform_indices = @transform_8, window_bounds = array<i64: 1, 1024>}, {pipeline_mode = #tpu.pipeline_mode<synchronous>, transform_indices = @transform_9, window_bounds = array<i64: 128, 2048>}, {pipeline_mode = #tpu.pipeline_mode<synchronous>, transform_indices = @transform_10, window_bounds = array<i64: 1024, 256>}, {pipeline_mode = #tpu.pipeline_mode<synchronous>, transform_indices = @transform_11, window_bounds = array<i64: 1024, 256>}, {transform_indices = @transform_12, window_bounds = array<i64: 2000, 256>}]} {
    %get3A = arith.constant 0 : index
    %get3A_0 = arith.constant 0 : index
    %get3A_1 = vector.load %arg1[%get3A, %get3A_0] : memref<2000x512xbf16, #tpu.memory_space<vmem>>, vector<2000x512xbf16>
    %get3A_2 = arith.constant 0 : index
    %get3A_3 = arith.constant 0 : index
    %get3A_4 = vector.load %arg4[%get3A_2, %get3A_3] : memref<512x512xbf16, #tpu.memory_space<vmem>>, vector<512x512xbf16>
    %dot_general3A = arith.constant dense<0.000000e+00> : vector<2000x512xf32>
    %dot_general3A_5 = tpu.matmul %get3A_1, %get3A_4, %dot_general3A {dimension_numbers = #tpu.dot_dimension_numbers<[1], [0], [0], [1], [0, 0, 1, 1], [], []>, transpose_lhs_hint = false} : vector<2000x512xbf16>, vector<512x512xbf16>, vector<2000x512xf32> -> vector<2000x512xf32>
    %get3A_6 = arith.constant 0 : index
    %get3A_7 = arith.constant 0 : index
    %get3A_8 = vector.load %arg5[%get3A_6, %get3A_7] : memref<1x512xbf16, #tpu.memory_space<vmem>>, vector<1x512xbf16>
    %convert_element_type3A = arith.extf %get3A_8 : vector<1x512xbf16> to vector<1x512xf32>
    %add3A = vector.broadcast %convert_element_type3A : vector<1x512xf32> to vector<2000x512xf32>
    %add3A_9 = arith.addf %dot_general3A_5, %add3A : vector<2000x512xf32>
    %max3A = arith.constant 0.000000e+00 : f32
    %max3A_10 = vector.broadcast %max3A : f32 to vector<2000x512xf32>
    %max3A_11 = arith.maximumf %add3A_9, %max3A_10 : vector<2000x512xf32>
    %convert_element_type3A_12 = arith.truncf %max3A_11 : vector<2000x512xf32> to vector<2000x512xbf16>
    %slice3A = vector.extract_strided_slice %convert_element_type3A_12 {offsets = [0, 0], sizes = [2000, 256], strides = [1, 1]} : vector<2000x512xbf16> to vector<2000x256xbf16>
    %get3A_13 = arith.constant 0 : index
    %get3A_14 = arith.constant 0 : index
    %get3A_15 = vector.load %arg6[%get3A_13, %get3A_14] : memref<256x1024xbf16, #tpu.memory_space<vmem>>, vector<256x1024xbf16>
    %dot_general3A_16 = arith.constant dense<0.000000e+00> : vector<2000x1024xf32>
    %dot_general3A_17 = tpu.matmul %slice3A, %get3A_15, %dot_general3A_16 {dimension_numbers = #tpu.dot_dimension_numbers<[1], [0], [0], [1], [0, 0, 1, 1], [], []>, transpose_lhs_hint = false} : vector<2000x256xbf16>, vector<256x1024xbf16>, vector<2000x1024xf32> -> vector<2000x1024xf32>
    %get3A_18 = arith.constant 0 : index
    %get3A_19 = arith.constant 0 : index
    %get3A_20 = vector.load %arg8[%get3A_18, %get3A_19] : memref<1x1024xbf16, #tpu.memory_space<vmem>>, vector<1x1024xbf16>
    %convert_element_type3A_21 = arith.extf %get3A_20 : vector<1x1024xbf16> to vector<1x1024xf32>
    %add3A_22 = vector.broadcast %convert_element_type3A_21 : vector<1x1024xf32> to vector<2000x1024xf32>
    %add3A_23 = arith.addf %dot_general3A_17, %add3A_22 : vector<2000x1024xf32>
    %convert_element_type3A_24 = arith.truncf %add3A_23 : vector<2000x1024xf32> to vector<2000x1024xbf16>
    %slice3A_25 = vector.extract_strided_slice %convert_element_type3A_12 {offsets = [0, 256], sizes = [2000, 256], strides = [1, 1]} : vector<2000x512xbf16> to vector<2000x256xbf16>
    %get3A_26 = arith.constant 0 : index
    %get3A_27 = arith.constant 0 : index
    %get3A_28 = vector.load %arg7[%get3A_26, %get3A_27] : memref<256x1024xbf16, #tpu.memory_space<vmem>>, vector<256x1024xbf16>
    %dot_general3A_29 = arith.constant dense<0.000000e+00> : vector<2000x1024xf32>
    %dot_general3A_30 = tpu.matmul %slice3A_25, %get3A_28, %dot_general3A_29 {dimension_numbers = #tpu.dot_dimension_numbers<[1], [0], [0], [1], [0, 0, 1, 1], [], []>, transpose_lhs_hint = false} : vector<2000x256xbf16>, vector<256x1024xbf16>, vector<2000x1024xf32> -> vector<2000x1024xf32>
    %get3A_31 = arith.constant 0 : index
    %get3A_32 = arith.constant 0 : index
    %get3A_33 = vector.load %arg9[%get3A_31, %get3A_32] : memref<1x1024xbf16, #tpu.memory_space<vmem>>, vector<1x1024xbf16>
    %convert_element_type3A_34 = arith.extf %get3A_33 : vector<1x1024xbf16> to vector<1x1024xf32>
    %add3A_35 = vector.broadcast %convert_element_type3A_34 : vector<1x1024xf32> to vector<2000x1024xf32>
    %add3A_36 = arith.addf %dot_general3A_30, %add3A_35 : vector<2000x1024xf32>
    %convert_element_type3A_37 = arith.truncf %add3A_36 : vector<2000x1024xf32> to vector<2000x1024xbf16>
    %iota3A = tpu.iota {dimensions = array<i32: 1>} : vector<8x128xi32>
    %iota3A_38 = tpu.iota {dimensions = array<i32: 0>} : vector<8x128xi32>
    %jit3A = arith.constant 16 : i32
    %div3A = vector.broadcast %jit3A : i32 to vector<8x128xi32>
    %div3A_39 = arith.divsi %iota3A, %div3A : vector<8x128xi32>
    %sign3A = arith.constant 0 : i32
    %sign3A_40 = vector.broadcast %sign3A : i32 to vector<8x128xi32>
    %sign3A_41 = arith.cmpi sgt, %iota3A, %sign3A_40 : vector<8x128xi32>
    %sign3A_42 = arith.extui %sign3A_41 : vector<8x128xi1> to vector<8x128xi32>
    %sign3A_43 = arith.constant 0 : i32
    %sign3A_44 = vector.broadcast %sign3A_43 : i32 to vector<8x128xi32>
    %sign3A_45 = arith.cmpi slt, %iota3A, %sign3A_44 : vector<8x128xi32>
    %sign3A_46 = arith.extui %sign3A_45 : vector<8x128xi1> to vector<8x128xi32>
    %sign3A_47 = arith.subi %sign3A_42, %sign3A_46 : vector<8x128xi32>
    %sign3A_48 = arith.constant 0 : i32
    %sign3A_49 = arith.cmpi sgt, %jit3A, %sign3A_48 : i32
    %sign3A_50 = arith.extui %sign3A_49 : i1 to i32
    %sign3A_51 = arith.constant 0 : i32
    %sign3A_52 = arith.cmpi slt, %jit3A, %sign3A_51 : i32
    %sign3A_53 = arith.extui %sign3A_52 : i1 to i32
    %sign3A_54 = arith.subi %sign3A_50, %sign3A_53 : i32
    %ne3A = vector.broadcast %sign3A_54 : i32 to vector<8x128xi32>
    %ne3A_55 = arith.cmpi ne, %sign3A_47, %ne3A : vector<8x128xi32>
    %rem3A = vector.broadcast %jit3A : i32 to vector<8x128xi32>
    %rem3A_56 = arith.remsi %iota3A, %rem3A : vector<8x128xi32>
    %ne3A_57 = arith.constant 0 : i32
    %ne3A_58 = vector.broadcast %ne3A_57 : i32 to vector<8x128xi32>
    %ne3A_59 = arith.cmpi ne, %rem3A_56, %ne3A_58 : vector<8x128xi32>
    %and3A = arith.andi %ne3A_55, %ne3A_59 : vector<8x128xi1>
    %sub3A = arith.constant 1 : i32
    %sub3A_60 = vector.broadcast %sub3A : i32 to vector<8x128xi32>
    %sub3A_61 = arith.subi %div3A_39, %sub3A_60 : vector<8x128xi32>
    %select_n3A = arith.select %and3A, %sub3A_61, %div3A_39 : vector<8x128xi1>, vector<8x128xi32>
    %eq3A = arith.cmpi eq, %select_n3A, %iota3A_38 : vector<8x128xi32>
    %convert_element_type3A_62 = arith.extui %eq3A : vector<8x128xi1> to vector<8x128xi32>
    %convert_element_type3A_63 = arith.sitofp %convert_element_type3A_62 : vector<8x128xi32> to vector<8x128xf32>
    %get3A_64 = arith.constant 0 : index
    %get3A_65 = arith.constant 0 : index
    %get3A_66 = vector.load %arg3[%get3A_64, %get3A_65] : memref<2000x8xf32, #tpu.memory_space<vmem>>, vector<2000x8xf32>
    %dot_general3A_67 = arith.constant dense<0.000000e+00> : vector<2000x128xf32>
    %dot_general3A_68 = tpu.matmul %get3A_66, %convert_element_type3A_63, %dot_general3A_67 {dimension_numbers = #tpu.dot_dimension_numbers<[1], [0], [0], [1], [0, 0, 1, 1], [], []>, transpose_lhs_hint = false} : vector<2000x8xf32>, vector<8x128xf32>, vector<2000x128xf32> -> vector<2000x128xf32>
    %get3A_69 = arith.constant 0 : index
    %get3A_70 = arith.constant 0 : index
    %get3A_71 = vector.load %arg2[%get3A_69, %get3A_70] : memref<2000x128xf32, #tpu.memory_space<vmem>>, vector<2000x128xf32>
    %mul3A = arith.mulf %get3A_71, %dot_general3A_68 : vector<2000x128xf32>
    %convert_element_type3A_72 = arith.truncf %mul3A : vector<2000x128xf32> to vector<2000x128xbf16>
    %get3A_73 = arith.constant 0 : index
    %get3A_74 = arith.constant 0 : index
    %get3A_75 = vector.load %arg10[%get3A_73, %get3A_74] : memref<128x2048xbf16, #tpu.memory_space<vmem>>, vector<128x2048xbf16>
    %dot_general3A_76 = arith.constant dense<0.000000e+00> : vector<2000x2048xf32>
    %dot_general3A_77 = tpu.matmul %convert_element_type3A_72, %get3A_75, %dot_general3A_76 {dimension_numbers = #tpu.dot_dimension_numbers<[1], [0], [0], [1], [0, 0, 1, 1], [], []>, transpose_lhs_hint = false} : vector<2000x128xbf16>, vector<128x2048xbf16>, vector<2000x2048xf32> -> vector<2000x2048xf32>
    %convert_element_type3A_78 = arith.truncf %dot_general3A_77 : vector<2000x2048xf32> to vector<2000x2048xbf16>
    %slice3A_79 = vector.extract_strided_slice %convert_element_type3A_78 {offsets = [0, 0], sizes = [2000, 1024], strides = [1, 1]} : vector<2000x2048xbf16> to vector<2000x1024xbf16>
    %mul3A_80 = arith.mulf %convert_element_type3A_24, %slice3A_79 : vector<2000x1024xbf16>
    %slice3A_81 = vector.extract_strided_slice %convert_element_type3A_78 {offsets = [0, 1024], sizes = [2000, 1024], strides = [1, 1]} : vector<2000x2048xbf16> to vector<2000x1024xbf16>
    %mul3A_82 = arith.mulf %convert_element_type3A_37, %slice3A_81 : vector<2000x1024xbf16>
    %get3A_83 = arith.constant 0 : index
    %get3A_84 = arith.constant 0 : index
    %get3A_85 = vector.load %arg11[%get3A_83, %get3A_84] : memref<1024x256xbf16, #tpu.memory_space<vmem>>, vector<1024x256xbf16>
    %dot_general3A_86 = arith.constant dense<0.000000e+00> : vector<2000x256xf32>
    %dot_general3A_87 = tpu.matmul %mul3A_80, %get3A_85, %dot_general3A_86 {dimension_numbers = #tpu.dot_dimension_numbers<[1], [0], [0], [1], [0, 0, 1, 1], [], []>, transpose_lhs_hint = false} : vector<2000x1024xbf16>, vector<1024x256xbf16>, vector<2000x256xf32> -> vector<2000x256xf32>
    %get3A_88 = arith.constant 0 : index
    %get3A_89 = arith.constant 0 : index
    %get3A_90 = vector.load %arg12[%get3A_88, %get3A_89] : memref<1024x256xbf16, #tpu.memory_space<vmem>>, vector<1024x256xbf16>
    %dot_general3A_91 = arith.constant dense<0.000000e+00> : vector<2000x256xf32>
    %dot_general3A_92 = tpu.matmul %mul3A_82, %get3A_90, %dot_general3A_91 {dimension_numbers = #tpu.dot_dimension_numbers<[1], [0], [0], [1], [0, 0, 1, 1], [], []>, transpose_lhs_hint = false} : vector<2000x1024xbf16>, vector<1024x256xbf16>, vector<2000x256xf32> -> vector<2000x256xf32>
    %add3A_93 = arith.addf %dot_general3A_87, %dot_general3A_92 : vector<2000x256xf32>
    %iota3A_94 = tpu.iota {dimensions = array<i32: 1>} : vector<1x256xi32>
    %jit3A_95 = arith.constant 32 : i32
    %eq3A_96 = arith.constant 0 : i32
    %eq3A_97 = arith.cmpi eq, %jit3A_95, %eq3A_96 : i32
    %jit3A_98 = arith.constant 1 : i32
    %select_n3A_99 = arith.select %eq3A_97, %jit3A_98, %jit3A_95 : i32
    %rem3A_100 = vector.broadcast %select_n3A_99 : i32 to vector<1x256xi32>
    %rem3A_101 = arith.remsi %iota3A_94, %rem3A_100 : vector<1x256xi32>
    %ne3A_102 = arith.constant 0 : i32
    %ne3A_103 = vector.broadcast %ne3A_102 : i32 to vector<1x256xi32>
    %ne3A_104 = arith.cmpi ne, %rem3A_101, %ne3A_103 : vector<1x256xi32>
    %lt3A = arith.constant 0 : i32
    %lt3A_105 = vector.broadcast %lt3A : i32 to vector<1x256xi32>
    %lt3A_106 = arith.cmpi slt, %rem3A_101, %lt3A_105 : vector<1x256xi32>
    %lt3A_107 = arith.constant 0 : i32
    %lt3A_108 = arith.cmpi slt, %select_n3A_99, %lt3A_107 : i32
    %ne3A_109 = vector.broadcast %lt3A_108 : i1 to vector<1x256xi1>
    %ne3A_110 = vector.broadcast %ne3A_109 : vector<1x256xi1> to vector<1x256xi1>
    %ne3A_111 = arith.xori %lt3A_106, %ne3A_110 : vector<1x256xi1>
    %and3A_112 = arith.andi %ne3A_111, %ne3A_104 : vector<1x256xi1>
    %add3A_113 = vector.broadcast %select_n3A_99 : i32 to vector<1x256xi32>
    %add3A_114 = arith.addi %rem3A_101, %add3A_113 : vector<1x256xi32>
    %select_n3A_115 = arith.select %and3A_112, %add3A_114, %rem3A_101 : vector<1x256xi1>, vector<1x256xi32>
    %ge3A = arith.constant 16 : i32
    %ge3A_116 = vector.broadcast %ge3A : i32 to vector<1x256xi32>
    %ge3A_117 = arith.cmpi sge, %select_n3A_115, %ge3A_116 : vector<1x256xi32>
    %convert_element_type3A_118 = arith.extui %ge3A_117 : vector<1x256xi1> to vector<1x256xi32>
    %convert_element_type3A_119 = arith.sitofp %convert_element_type3A_118 : vector<1x256xi32> to vector<1x256xf32>
    %add3A_120 = vector.broadcast %convert_element_type3A_119 : vector<1x256xf32> to vector<2000x256xf32>
    %add3A_121 = arith.addf %add3A_93, %add3A_120 : vector<2000x256xf32>
    %swap3A = arith.constant 0 : index
    %swap3A_122 = arith.constant 0 : index
    %swap3A_123 = vector.load %arg13[%swap3A, %swap3A_122] : memref<2000x256xf32, #tpu.memory_space<vmem>>, vector<2000x256xf32>
    tpu.vector_store %arg13[%swap3A, %swap3A_122], %add3A_121 {strides = array<i32>} : memref<2000x256xf32, #tpu.memory_space<vmem>>, vector<2000x256xf32>,
    return
  }
  func.func @transform_0(%arg0: i32) -> (i32, i32) {
    %c0_i32 = arith.constant 0 : i32
    %c0_i32_0 = arith.constant 0 : i32
    return %arg0, %c0_i32 : i32, i32
  }
  func.func @transform_1(%arg0: i32) -> (i32, i32) {
    %c0_i32 = arith.constant 0 : i32
    %c0_i32_0 = arith.constant 0 : i32
    return %arg0, %c0_i32 : i32, i32
  }
  func.func @transform_2(%arg0: i32) -> (i32, i32) {
    %c0_i32 = arith.constant 0 : i32
    %c0_i32_0 = arith.constant 0 : i32
    return %arg0, %c0_i32 : i32, i32
  }
  func.func @transform_3(%arg0: i32) -> (i32, i32) {
    %c0_i32 = arith.constant 0 : i32
    %c0_i32_0 = arith.constant 0 : i32
    %c0_i32_1 = arith.constant 0 : i32
    return %c0_i32, %c0_i32_0 : i32, i32
  }
  func.func @transform_4(%arg0: i32) -> (i32, i32) {
    %c0_i32 = arith.constant 0 : i32
    %c0_i32_0 = arith.constant 0 : i32
    %c0_i32_1 = arith.constant 0 : i32
    return %c0_i32, %c0_i32_0 : i32, i32
  }
  func.func @transform_5(%arg0: i32) -> (i32, i32) {
    %c0_i32 = arith.constant 0 : i32
    %c0_i32_0 = arith.constant 0 : i32
    %c0_i32_1 = arith.constant 0 : i32
    return %c0_i32, %c0_i32_0 : i32, i32
  }
  func.func @transform_6(%arg0: i32) -> (i32, i32) {
    %c0_i32 = arith.constant 0 : i32
    %c0_i32_0 = arith.constant 0 : i32
    %c0_i32_1 = arith.constant 0 : i32
    return %c0_i32, %c0_i32_0 : i32, i32
  }
  func.func @transform_7(%arg0: i32) -> (i32, i32) {
    %c0_i32 = arith.constant 0 : i32
    %c0_i32_0 = arith.constant 0 : i32
    %c0_i32_1 = arith.constant 0 : i32
    return %c0_i32, %c0_i32_0 : i32, i32
  }
  func.func @transform_8(%arg0: i32) -> (i32, i32) {
    %c0_i32 = arith.constant 0 : i32
    %c0_i32_0 = arith.constant 0 : i32
    %c0_i32_1 = arith.constant 0 : i32
    return %c0_i32, %c0_i32_0 : i32, i32
  }
  func.func @transform_9(%arg0: i32) -> (i32, i32) {
    %c0_i32 = arith.constant 0 : i32
    %c0_i32_0 = arith.constant 0 : i32
    %c0_i32_1 = arith.constant 0 : i32
    return %c0_i32, %c0_i32_0 : i32, i32
  }
  func.func @transform_10(%arg0: i32) -> (i32, i32) {
    %c0_i32 = arith.constant 0 : i32
    %c0_i32_0 = arith.constant 0 : i32
    %c0_i32_1 = arith.constant 0 : i32
    return %c0_i32, %c0_i32_0 : i32, i32
  }
  func.func @transform_11(%arg0: i32) -> (i32, i32) {
    %c0_i32 = arith.constant 0 : i32
    %c0_i32_0 = arith.constant 0 : i32
    %c0_i32_1 = arith.constant 0 : i32
    return %c0_i32, %c0_i32_0 : i32, i32
  }
  func.func @transform_12(%arg0: i32) -> (i32, i32) {
    %c0_i32 = arith.constant 0 : i32
    %c0_i32_0 = arith.constant 0 : i32
    return %arg0, %c0_i32 : i32, i32
  }
}

module attributes {stable_mosaic.version = 14 : i64} {
  func.func @_finalize_body(%arg0: memref<2x10240x32xf32, #tpu.memory_space<vmem>>, %arg1: memref<10000x16xf32, #tpu.memory_space<vmem>>, %arg2: memref<1x16xf32, #tpu.memory_space<vmem>>, %arg3: memref<1x16xf32, #tpu.memory_space<vmem>>, %arg4: memref<10000x16xf32, #tpu.memory_space<vmem>>) attributes {dimension_semantics = [], scalar_prefetch = 0 : i64, scratch_operands = 0 : i64, tpu.core_type = #tpu.core_type<tc>} {
    %get3A = arith.constant 0 : index
    %get3A_0 = arith.constant 0 : index
    %get3A_1 = arith.constant 0 : index
    %get3A_2 = vector.load %arg0[%get3A, %get3A_0, %get3A_1] : memref<2x10240x32xf32, #tpu.memory_space<vmem>>, vector<1x10000x32xf32>
    %get3A_3 = vector.shape_cast %get3A_2 : vector<1x10000x32xf32> to vector<10000x32xf32>
    %get3A_4 = arith.constant 1 : index
    %get3A_5 = arith.constant 0 : index
    %get3A_6 = arith.constant 0 : index
    %get3A_7 = vector.load %arg0[%get3A_4, %get3A_5, %get3A_6] : memref<2x10240x32xf32, #tpu.memory_space<vmem>>, vector<1x10000x32xf32>
    %get3A_8 = vector.shape_cast %get3A_7 : vector<1x10000x32xf32> to vector<10000x32xf32>
    %slice3A = vector.extract_strided_slice %get3A_3 {offsets = [0, 0], sizes = [10000, 16], strides = [1, 1]} : vector<10000x32xf32> to vector<10000x16xf32>
    %slice3A_9 = vector.extract_strided_slice %get3A_8 {offsets = [0, 0], sizes = [10000, 16], strides = [1, 1]} : vector<10000x32xf32> to vector<10000x16xf32>
    %add3A = arith.addf %slice3A, %slice3A_9 : vector<10000x16xf32>
    %slice3A_10 = vector.extract_strided_slice %get3A_3 {offsets = [0, 16], sizes = [10000, 1], strides = [1, 1]} : vector<10000x32xf32> to vector<10000x1xf32>
    %slice3A_11 = vector.extract_strided_slice %get3A_8 {offsets = [0, 16], sizes = [10000, 1], strides = [1, 1]} : vector<10000x32xf32> to vector<10000x1xf32>
    %add3A_12 = arith.addf %slice3A_10, %slice3A_11 : vector<10000x1xf32>
    %max3A = arith.constant 1.000000e+00 : f32
    %max3A_13 = vector.broadcast %max3A : f32 to vector<10000x1xf32>
    %max3A_14 = arith.maximumf %add3A_12, %max3A_13 : vector<10000x1xf32>
    %div3A = vector.broadcast %max3A_14 : vector<10000x1xf32> to vector<10000x16xf32>
    %div3A_15 = arith.divf %add3A, %div3A : vector<10000x16xf32>
    %get3A_16 = arith.constant 0 : index
    %get3A_17 = arith.constant 0 : index
    %get3A_18 = vector.load %arg1[%get3A_16, %get3A_17] : memref<10000x16xf32, #tpu.memory_space<vmem>>, vector<10000x16xf32>
    %add3A_19 = arith.addf %div3A_15, %get3A_18 : vector<10000x16xf32>
    %reduce_sum3A = arith.constant dense<0.000000e+00> : vector<16xf32>
    %reduce_sum3A_20 = vector.multi_reduction <add>, %add3A_19, %reduce_sum3A [0] : vector<10000x16xf32> to vector<16xf32>
    %broadcast_in_dim3A = vector.shape_cast %reduce_sum3A_20 : vector<16xf32> to vector<1x16xf32>
    %div3A_21 = arith.constant 1.000000e+04 : f32
    %div3A_22 = vector.broadcast %div3A_21 : f32 to vector<1x16xf32>
    %div3A_23 = arith.divf %broadcast_in_dim3A, %div3A_22 : vector<1x16xf32>
    %sub3A = vector.broadcast %div3A_23 : vector<1x16xf32> to vector<10000x16xf32>
    %sub3A_24 = arith.subf %add3A_19, %sub3A : vector<10000x16xf32>
    %mul3A = arith.mulf %sub3A_24, %sub3A_24 : vector<10000x16xf32>
    %reduce_sum3A_25 = arith.constant dense<0.000000e+00> : vector<16xf32>
    %reduce_sum3A_26 = vector.multi_reduction <add>, %mul3A, %reduce_sum3A_25 [0] : vector<10000x16xf32> to vector<16xf32>
    %broadcast_in_dim3A_27 = vector.shape_cast %reduce_sum3A_26 : vector<16xf32> to vector<1x16xf32>
    %div3A_28 = arith.constant 1.000000e+04 : f32
    %div3A_29 = vector.broadcast %div3A_28 : f32 to vector<1x16xf32>
    %div3A_30 = arith.divf %broadcast_in_dim3A_27, %div3A_29 : vector<1x16xf32>
    %add3A_31 = arith.constant 9.99999974E-6 : f32
    %add3A_32 = vector.broadcast %add3A_31 : f32 to vector<1x16xf32>
    %add3A_33 = arith.addf %div3A_30, %add3A_32 : vector<1x16xf32>
    %rsqrt3A = math.rsqrt %add3A_33 : vector<1x16xf32>
    %mul3A_34 = vector.broadcast %rsqrt3A : vector<1x16xf32> to vector<10000x16xf32>
    %mul3A_35 = arith.mulf %sub3A_24, %mul3A_34 : vector<10000x16xf32>
    %get3A_36 = arith.constant 0 : index
    %get3A_37 = arith.constant 0 : index
    %get3A_38 = vector.load %arg2[%get3A_36, %get3A_37] : memref<1x16xf32, #tpu.memory_space<vmem>>, vector<1x16xf32>
    %mul3A_39 = vector.broadcast %get3A_38 : vector<1x16xf32> to vector<10000x16xf32>
    %mul3A_40 = arith.mulf %mul3A_35, %mul3A_39 : vector<10000x16xf32>
    %get3A_41 = arith.constant 0 : index
    %get3A_42 = arith.constant 0 : index
    %get3A_43 = vector.load %arg3[%get3A_41, %get3A_42] : memref<1x16xf32, #tpu.memory_space<vmem>>, vector<1x16xf32>
    %add3A_44 = vector.broadcast %get3A_43 : vector<1x16xf32> to vector<10000x16xf32>
    %add3A_45 = arith.addf %mul3A_40, %add3A_44 : vector<10000x16xf32>
    %swap3A = arith.constant 0 : index
    %swap3A_46 = arith.constant 0 : index
    %swap3A_47 = vector.load %arg4[%swap3A, %swap3A_46] : memref<10000x16xf32, #tpu.memory_space<vmem>>, vector<10000x16xf32>
    tpu.vector_store %arg4[%swap3A, %swap3A_46], %add3A_45 {strides = array<i32>} : memref<10000x16xf32, #tpu.memory_space<vmem>>, vector<10000x16xf32>,
    return
  }
}

</mosaic_0001>

<sc_bundles>
// kernel: kernel.6.cloned.1.call-start
scs
__scs_entry_jumppad:
0x0: {  	(pc) =	sbr.rel $0x88, $3  }
0x1: {  	(tag) =	ssettag $0x0;
	lr =	simm.s32 $0x1  }
0x2: {  	[smem:$0x3F97] =	sst lr;
	_ =	strace $0xD0000000  }
0x3: {  	_ = 	snop  }
0x4: {  	_ = 	snop  }
0x5: {  	_ = 	snop  }
0x6: {  	_ = 	snop  }
0x7: {  	_ = 	snop  }
__scs_overlays_trampoline_lowered:
0x8: {  	[smem:$0x3FA6] =	sst s0  }
0x9: {  	[smem:$0x3FA7] =	sst s1  }
0xa: {  	[smem:$0x3FA8] =	sst s2  }
0xb: {  	[smem:$0x3FA9] =	sst s3  }
0xc: {  	[smem:$0x3FAA] =	sst s4  }
0xd: {  	[smem:$0x3FAB] =	sst s5  }
0xe: {  	[smem:$0x3FAC] =	sst s6  }
0xf: {  	[smem:$0x3FAD] =	sst s7  }
0x10: {  	[smem:$0x3FAE] =	sst s8  }
0x11: {  	[smem:$0x3FAF] =	sst s9;
	s0 =	simm.s32 @!p0 $0x0  }
0x12: {  	s1 =	sld [smem:$0x3F95];
	s0 =	simm.s32 @p0 $0x1  }
0x13: {  	[smem:$0x3FB0] =	sst s0;
	s0 =	simm.s32 @!p1 $0x0  }
0x14: {  	s2 =	sld [smem:$0x3F94];
	s0 =	simm.s32 @p1 $0x1  }
0x15: {  	[smem:$0x3FB1] =	sst s0;
	s0 =	simm.s32 @!p2 $0x0  }
0x16: {  	s3 =	sld [smem:$0x3FDB];
	s0 =	simm.s32 @p2 $0x1  }
0x17: {  	s4 =	simm.s32 $0x1BF5;
	[smem:$0x3FB3] =	sst s0  }
0x18: {  	s0 =	sld [smem:$0x3F96];
	_ =	swait.ge [sflag:s4], $0x0  }
0x19: {  	s7 =	sld [smem:$0x3F97]  }
0x1a: {  	s8 =	sadd.s32 $0xFFFFE003, lr  }
0x1b: {  	s9 =	sadd.s32 $0xFFFFFEF7, lr;
	s5 =	simm.s32 $0xFFFFFFFF;
	p2 =	slt.u32 s8, $0xFFFFF086  }
0x1c: {  	p1 =	slt.u32 s9, $0xF7A;
	s5 =	simm.s32 @!p2 $0x0  }
0x1d: {  	s5 =	simm.s32 @p1 $0x1;
	p0 =	seq.s32 s7, s2  }
0x1e: {  	s7 =	smul.u32 @!p0 $0xF7A, s2;
	p2 =	seq.s32 @!p0 s5, $0x0  }
0x1f: {  	s9 =	smul.u32 $0xF7A, s1;
	s8 =	simm.s32 @!p0 $0x1BF5;
	p2 =	por !p2, p0  }
0x20: {  	[sflag:s8] =	ssyncset.s32 @!p0 $0xFFFFF086;
	s6 =	sadd.s32 @!p0 s3, s7;
	s7 =	simm.s32 @!p0 $0x108  }
0x21: {  	s3 =	sadd.s32 s3, s9;
	s6 =	sadd.s32 @!p0 $0x88, s6;
	s7 =	simm.s32 @p2 $0x1082  }
0x22: {  	[simem:s7], [sflag:s8] =	dma.local @!p0 [hbm:s6], $0xF7A  }
0x23: {  	s9 =	sor.u32 $0xD0000000, s2;
	s6 =	simm.s32 $0x108;
	_ =	swait.ge @!p0 [sflag:s8], $0x0  }
0x24: {  	s3 =	sadd.s32 $0x88, s3;
	s6 =	simm.s32 @!p1 $0x1082;
	[sflag:s4] =	ssyncset.s32 $0xFFFFF086  }
0x25: {  	[simem:s6], [sflag:s4] =	dma.local [hbm:s3], $0xF7A  }
0x26: {  	[smem:$0x3F97] =	sst s1;
	(tag) =	ssettag s2;
	_ =	strace s9  }
0x27: {  	s1 =	sld [smem:$0x3FA7]  }
0x28: {  	s2 =	sld [smem:$0x3FA8]  }
0x29: {  	s4 =	sld [smem:$0x3FAA]  }
0x2a: {  	p0 =	seq.s32 s5, $0x0;
	s5 =	sld [smem:$0x3FAB]  }
0x2b: {  	s6 =	sld [smem:$0x3FAC]  }
0x2c: {  	s7 =	sld [smem:$0x3FAD]  }
0x2d: {  	s3 =	simm.s32 $0x108;
	s8 =	sld [smem:$0x3FAE]  }
0x2e: {  	s3 =	simm.s32 @!p0 $0x1082;
	s9 =	sld [smem:$0x3FAF]  }
0x2f: {  	lr =	sadd.s32 s0, s3;
	s0 =	sld [smem:$0x3FA6]  }
0x30: {  	s3 =	sld [smem:$0x3FA9]  }
0x31: {  	[smem:$0x3FB2] =	sst s10  }
0x32: {  	s10 =	sld [smem:$0x3FB0];
	_ =	sdelay $0x3  }
0x33: {  	p0 =	seq.s32 s10, $0x1;
	s10 =	sld [smem:$0x3FB2];
	_ =	sdelay $0x3  }
0x34: {  	[smem:$0x3FB2] =	sst s10  }
0x35: {  	s10 =	sld [smem:$0x3FB1];
	_ =	sdelay $0x3  }
0x36: {  	p1 =	seq.s32 s10, $0x1;
	s10 =	sld [smem:$0x3FB2];
	_ =	sdelay $0x3  }
0x37: {  	[smem:$0x3FB2] =	sst s10  }
0x38: {  	s10 =	sld [smem:$0x3FB3]  }
0x39: {  	_ = 	snop;
	(pc) =	sbr.ind lr, $3  }
0x3a: {  	_ = 	snop  }
0x3b: {  	_ = 	snop  }
0x3c: {  	p2 =	seq.s32 s10, $0x1;
	s10 =	sld [smem:$0x3FB2]  }
0x3d: {  	_ =	shalt  }
0x3e: {  	_ =	shalt  }
0x3f: {  	_ =	shalt  }
0x40: {  	_ =	shalt  }
0x41: {  	_ =	shalt  }
0x42: {  	_ =	shalt  }
0x43: {  	_ =	shalt  }
0x44: {  	_ =	shalt  }
0x45: {  	_ =	shalt  }
0x46: {  	_ =	shalt  }
0x47: {  	_ =	shalt  }
0x48: {  	_ =	shalt  }
0x49: {  	_ =	shalt  }
0x4a: {  	_ =	shalt  }
0x4b: {  	_ =	shalt  }
0x4c: {  	_ =	shalt  }
0x4d: {  	_ =	shalt  }
0x4e: {  	_ =	shalt  }
0x4f: {  	_ =	shalt  }
0x50: {  	_ =	shalt  }
0x51: {  	_ =	shalt  }
0x52: {  	_ =	shalt  }
0x53: {  	_ =	shalt  }
0x54: {  	_ =	shalt  }
0x55: {  	_ =	shalt  }
0x56: {  	_ =	shalt  }
0x57: {  	_ =	shalt  }
0x58: {  	_ =	shalt  }
0x59: {  	_ =	shalt  }
0x5a: {  	_ =	shalt  }
0x5b: {  	_ =	shalt  }
0x5c: {  	_ =	shalt  }
0x5d: {  	_ =	shalt  }
0x5e: {  	_ =	shalt  }
0x5f: {  	_ =	shalt  }
0x60: {  	_ =	shalt  }
0x61: {  	_ =	shalt  }
0x62: {  	_ =	shalt  }
0x63: {  	_ =	shalt  }
0x64: {  	_ =	shalt  }
0x65: {  	_ =	shalt  }
0x66: {  	_ =	shalt  }
0x67: {  	_ =	shalt  }
0x68: {  	_ =	shalt  }
0x69: {  	_ =	shalt  }
0x6a: {  	_ =	shalt  }
0x6b: {  	_ =	shalt  }
0x6c: {  	_ =	shalt  }
0x6d: {  	_ =	shalt  }
0x6e: {  	_ =	shalt  }
0x6f: {  	_ =	shalt  }
0x70: {  	_ =	shalt  }
0x71: {  	_ =	shalt  }
0x72: {  	_ =	shalt  }
0x73: {  	_ =	shalt  }
0x74: {  	_ =	shalt  }
0x75: {  	_ =	shalt  }
0x76: {  	_ =	shalt  }
0x77: {  	_ =	shalt  }
0x78: {  	_ =	shalt  }
0x79: {  	_ =	shalt  }
0x7a: {  	_ =	shalt  }
0x7b: {  	_ =	shalt  }
0x7c: {  	_ =	shalt  }
0x7d: {  	_ =	shalt  }
0x7e: {  	_ =	shalt  }
0x7f: {  	_ =	shalt  }
0x80: {  	_ =	shalt  }
0x81: {  	_ =	shalt  }
0x82: {  	_ =	shalt  }
0x83: {  	_ =	shalt  }
0x84: {  	_ =	shalt  }
0x85: {  	_ =	shalt  }
0x86: {  	_ =	shalt  }
0x87: {  	_ =	shalt  }
.Lfunc_end0:
.L_simem_size_0:
called_computation_lowered:
.L_overlay_start_0:
0x88: {  	s2 =	sld [smem:$0x3FD9]  }
0x89: {  	s3 =	sld [smem:$0x3FFE];
	_ =	sdelay $0x1  }
0x8a: {  	s1 =	srdreg.scid  }
0x8b: {  	s0 =	sand.u32 $0x1, s1  }
0x8c: {  	s14 =	sshll.u32 s0, $0xA;
	s2 =	sadd.s32 s3, s2  }
0x8d: {  	s2 =	sadd.s32 s2, s14  }
0x8e: {  	[smem:$0x3FBE] =	sst s2  }
0x8f: {  	_ = 	snop  }
0x90: {  	s2 =	sld [smem:$0x3FD0];
	_ =	sdelay $0x2  }
0x91: {  	s15 =	simm.s32 $0xA;
	s4 =	simm.s32 $0x10  }
0x92: {  	[smem:s4], [sflag:s15] =	dma.local [hbm:s2], $0x1  }
0x93: {  	_ =	swait.eq [sflag:s15], $0x1  }
0x94: {  	[sflag:s15] =	ssyncset.done $0x0  }
0x95: {  	[sflag:s15] =	ssyncadd.s32 $0xFFFFFFFF  }
0x96: {  	s16 =	sld [smem:$0x10];
	(tm) =	ssettm $0x1  }
0x97: {  	s17 =	sld [smem:$0x3FFB];
	_ =	sdelay $0x3  }
0x98: {  	_ =	strace s17  }
0x99: {  	s3 =	sld [smem:$0x3FFC];
	_ =	sdelay $0x3  }
0x9a: {  	_ =	strace s3  }
0x9b: {  	s3 =	sld [smem:$0x3FFD];
	_ =	sdelay $0x3  }
0x9c: {  	_ =	strace s3  }
0x9d: {  	_ =	strace $0x8FFFFFFF  }
0x9e: {  	s18 =	sld [smem:$0x3FDB];
	_ =	sdelay $0x1  }
0x9f: {  	s19 =	simm.s32 $_scs_section_size  }
0xa0: {  	s5 =	simm.s32 $_size__tile_overlayer_lowered;
	s6 =	simm.s32 $_tile_overlayer_lowered  }
0xa1: {  	s22 =	simm.s32 $0x1BFF;
	s21 =	sshll.u32 s6, $0x1;
	s3 =	sadd.s32 s19, s18  }
0xa2: {  	s7 =	simm.s32 $0x0;
	s20 =	sshll.u32 s5, $0x1;
	s5 =	sadd.s32 s21, s3  }
0xa3: {  	[timem:s7], [sflag:s22] =	dma.local [hbm:s5], s20  }
0xa4: {  	_ =	swait.ge [sflag:s22], s20  }
0xa5: {  	s4 =	ssub.s32 $0x0, s20;
	[sflag:s22] =	ssyncset.done $0x0  }
0xa6: {  	[sflag:s22] =	ssyncadd.s32 s4;
	_ =	sdelay $0x1  }
0xa7: {  	s23 =	simm.s32 $0x1B8B  }
0xa8: {  	_ =	swait.ge [sflag:s23], $0x1  }
0xa9: {  	[sflag:s23] =	ssyncset.done $0x0  }
0xaa: {  	s25 =	simm.s32 $0x1B8E;
	s24 =	sld [smem:$0x3FFE];
	[sflag:s23] =	ssyncadd.s32 $0xFFFFFFFF  }
0xab: {  	s26 =	simm.s32 $execute0_lowered;
	[smem:$0x3FD2] =	sst s25  }
0xac: {  	s5 =	sshll.u32 s26, $0x1;
	_ =	strace $0x80000046;
	[dreg:$0x1] =	wrdreg $0xFFFFFFFF  }
0xad: {  	s28 =	simm.s32 $_size_execute0_lowered;
	s3 =	sadd.s32 s3, s5;
	[dreg:$0x0] =	wrdreg $0x0  }
0xae: {  	s5 =	sshll.u32 s28, $0x1;
	[dreg:$0x2] =	wrdreg s3  }
0xaf: {  	[dreg:$0x3] =	wrdreg s5  }
0xb0: {  	[dreg:$0x4] =	wrdreg $0xC0  }
0xb1: {  	_ =	task [dreg:s7], $0x5FFFF  }
0xb2: {  	[dreg:$0x1] =	wrdreg $0xFFFFFFFF  }
0xb3: {  	[dreg:$0x0] =	wrdreg $0x60  }
0xb4: {  	[dreg:$0x2] =	wrdreg s16  }
0xb5: {  	[dreg:$0x3] =	wrdreg s24  }
0xb6: {  	[dreg:$0x4] =	wrdreg $0x9  }
0xb7: {  	_ =	task.clear_ibuf [dreg:s7], $0x5FFFF;
	_ =	strace $0x90000046  }
0xb8: {  	s29 =	simm.s32 $0x9;
	_ =	strace $0x80000048  }
0xb9: {  	_ =	swait.ge [sflag:s29], $0x1  }
0xba: {  	[sflag:s29] =	ssyncadd.s32 $0xFFFFFFFF  }
0xbb: {  	_ =	strace $0x90000048  }
0xbc: {  	_ =	sfence  }
0xbd: {  	s30 =	sld [smem:$0x0];
	_ =	sdelay $0x2  }
0xbe: {  	s31 =	sshll.u32 s1, $0xD;
	s1 =	sshrl.u32 s1, $0x2  }
0xbf: {  	s3 =	sand.u32 $0x4000, s31;
	s1 =	sadd.s32 s1, s30  }
0xc0: {  	s0 =	sor.u32 s3, s0;
	s1 =	sshll.u32 s1, $0x11  }
0xc1: {  	s0 =	sor.u32 s1, s0  }
0xc2: {  	s0 =	sadd.s32 $0x8F2B, s0  }
0xc3: {  	[sflag:s0] =	ssyncadd.remote.s32 $0x1  }
0xc4: {  	_ =	sfence.sel $0xFFFF  }
0xc5: {  	[dreg:$0x0] =	wrdreg $0xFFFFFFFF;
	(pc) =	sbr.abs _section_cstart, $3  }
0xc6: {  	[dreg:$0x1] =	wrdreg $0xFFFFFFFF  }
0xc7: {  	_ =	task.clear_ibuf [dreg:s7], $0x2FFFF;
	_ =	strace $0x9FFFFFFF  }
0xc8: {  	(tm) =	ssettm $0x7FFFFFFF  }
0xc9: {  	_ =	shalt  }
tec
execute0_lowered:
.L_overlay_start_1:
0x0: {  	(tag) =	ssettag $0x1  }
0x1: {  	s1 =	srdreg.scid;
	s2 =	rddreg [dreg:$0x0]  }
0x2: {  	s0 =	stileid.u32;
	s5 =	rddreg [dreg:$0x1];
	s3 =	simm.s32 $0x0  }
0x3: {  	s8 =	simm.s32 $0x7D;
	s4 =	sand.u32 $0x1, s1;
	s30 =	sshll.u32 s0, $0x1  }
0x4: {  	s9 =	simm.s32 $0x1;
	s10 =	simm.s32 $0x1400;
	s6 =	sor.u32 s4, s30  }
0x5: {  	s11 =	simm.s32 $0x0;
	s1 =	rddreg [dreg:$0x2];
	s7 =	smul.u32 $0x280, s6  }
0x6: {  	[smem:$0x7FF] =	sst s3;
	s4 =	ssub.s32 $0x2, s4;
	s6 =	smul.u32 $0x2710, s6  }
0x7: {  	_ =	strace $0x80000047;
	s31 =	sshrl.u32 s4, $0x1;
	s7 =	sadd.s32 s7, s5  }
0x8: {  	s5 =	sadd.s32 s6, s5;
	s6 =	ssub.s32 s4, s31;
	s4 =	sadd.s32 $0x1600, s7  }
0x9: {  	s5 =	sadd.s32 $0x6600, s5;
	s6 =	smax.u32 s6, $0x1;
	s7 =	simm.s32 $0x2  }
.LBB2_1:
0xa: {  	[tilespmem:s3], [sflag:$0x2] =	stream.linear.gather [hbm4b:s4+s3], $0x1400, $0x38;
	[tilespmem:$0x14C80] =	vst v63  }
0xb: {  	_ =	swait.ge [sflag:s7], $0x1400  }
0xc: {  	s12 =	simm.s32 $0x200;
	s15 =	simm.s32 $0x0;
	[sflag:s7] =	ssyncset.done $0x0  }
0xd: {  	s13 =	simm.s32 $0x1BD0;
	s14 =	simm.s32 $0x1400;
	[sflag:s7] =	ssyncadd.s32 $0xFFFFEC00  }
.LBB2_2:
0xe: {  	[tilespmem:s14], [sflag:$0x1] =	stream.indirect.gather [hbm4b:s2+s8], $0x10, s15, s8, $0xb8;
	[tilespmem:$0x14C80] =	vst v63  }
0xf: {  	s15 =	smov.u32 s12;
	s14 =	smov.u32 s13;
	p0 =	sne.s32 s12, $0x4E00  }
.Ltmp0:
0x10: {  	s12 =	sadd.s32 $0x200, s12;
	(pc) =	sbr.rel @p0 .LBB2_2-.Ltmp0, $2  }
0x11: {  	_ =	sdelay $0x2  }
0x12: {  	s13 =	sadd.s32 $0x7D0, s13;
	s15 =	sshra.s32 s15, $0x2  }
0x13: {  	[tilespmem:s14], [sflag:$0x1] =	stream.indirect.gather [hbm4b:s2+s8], $0x10, s15, s8, $0xb8;
	[tilespmem:$0x14C80] =	vst v63  }
0x14: {  	s11 =	sadd.s32 $0x1, s11;
	_ =	swait.ge [sflag:s9], $0x13880  }
0x15: {  	p0 =	sne.s32 s11, s6;
	[sflag:s9] =	ssyncset.done $0x0  }
.Ltmp1:
0x16: {  	[sflag:s9] =	ssyncadd.s32 $0xFFFEC780;
	(pc) =	sbr.rel @p0 .LBB2_1-.Ltmp1, $4  }
0x17: {  	[hbm4b:s5+s3] =	stream.linear.scatter [tilespmem:s10], [sflag:$0x2], $0x13880, $0x38;
	[tilespmem:$0x14C80] =	vst v63  }
0x18: {  	_ =	swait.ge [sflag:s7], $0x13880  }
0x19: {  	[sflag:s7] =	ssyncset.done $0x0  }
0x1a: {  	[sflag:s7] =	ssyncadd.s32 $0xFFFEC780  }
0x1b: {  	_ =	sfence.sel $0x180000  }
0x1c: {  	[bflag:$0x0] =	sbarrier.arrive $0xFFFF  }
0x1d: {  	p0 =	sne.s32 s0, $0x0;
	_ =	strace $0x90000047  }
0x1e: {  	s0 =	sadd.s32 @!p0 $0x100000, s1;
	[bflag:$0x2] =	sbarrier.arrive $0xFFFF  }
0x1f: {  	[sflag:s0] =	ssyncadd.tile.s32 @!p0 $0x1;
	_ =	shalt  }
.Lfunc_end2:
_tile_overlayer_lowered:
.L_overlay_start_2:
0x20: {  	(tag) =	ssettag $0x2  }
0x21: {  	s0 =	rddreg [dreg:$0x0];
	s2 =	stileid.u32  }
0x22: {  	s1 =	rddreg [dreg:$0x1];
	p0 =	sne.s32 s2, $0x0  }
0x23: {  	s3 =	rddreg [dreg:$0x2];
	[bflag:$0x3] =	sbarrier.arrive $0xFFFF;
	s2 =	simm.s32 @!p0 $0x1C02  }
0x24: {  	[timem:s3], [sflag:s2] =	dma.local @!p0 [hbm:s0], s1  }
0x25: {  	s0 =	simm.s32 @!p0 $0x2  }
0x26: {  	_ =	swait.ge @!p0 [sflag:s0], s1  }
0x27: {  	s1 =	ssub.s32 @!p0 $0x0, s1;
	[sflag:s0] =	ssyncset.done @!p0 $0x0  }
0x28: {  	[sflag:s0] =	ssyncadd.s32 @!p0 s1  }
0x29: {  	[bflag:$0x3] =	sbarrier.arrive $0xFFFF  }
0x2a: {  	_ =	shalt  }

// kernel: kernel.9.cloned.1.call-start
scs
__scs_entry_jumppad:
0x0: {  	(pc) =	sbr.rel $0x88, $3  }
0x1: {  	(tag) =	ssettag $0x0;
	lr =	simm.s32 $0x1  }
0x2: {  	[smem:$0x3F97] =	sst lr;
	_ =	strace $0xD0000000  }
0x3: {  	_ = 	snop  }
0x4: {  	_ = 	snop  }
0x5: {  	_ = 	snop  }
0x6: {  	_ = 	snop  }
0x7: {  	_ = 	snop  }
__scs_overlays_trampoline_lowered:
0x8: {  	[smem:$0x3FA6] =	sst s0  }
0x9: {  	[smem:$0x3FA7] =	sst s1  }
0xa: {  	[smem:$0x3FA8] =	sst s2  }
0xb: {  	[smem:$0x3FA9] =	sst s3  }
0xc: {  	[smem:$0x3FAA] =	sst s4  }
0xd: {  	[smem:$0x3FAB] =	sst s5  }
0xe: {  	[smem:$0x3FAC] =	sst s6  }
0xf: {  	[smem:$0x3FAD] =	sst s7  }
0x10: {  	[smem:$0x3FAE] =	sst s8  }
0x11: {  	[smem:$0x3FAF] =	sst s9;
	s0 =	simm.s32 @!p0 $0x0  }
0x12: {  	s1 =	sld [smem:$0x3F95];
	s0 =	simm.s32 @p0 $0x1  }
0x13: {  	[smem:$0x3FB0] =	sst s0;
	s0 =	simm.s32 @!p1 $0x0  }
0x14: {  	s2 =	sld [smem:$0x3F94];
	s0 =	simm.s32 @p1 $0x1  }
0x15: {  	[smem:$0x3FB1] =	sst s0;
	s0 =	simm.s32 @!p2 $0x0  }
0x16: {  	s3 =	sld [smem:$0x3FDB];
	s0 =	simm.s32 @p2 $0x1  }
0x17: {  	s4 =	simm.s32 $0x1BF5;
	[smem:$0x3FB3] =	sst s0  }
0x18: {  	s0 =	sld [smem:$0x3F96];
	_ =	swait.ge [sflag:s4], $0x0  }
0x19: {  	s7 =	sld [smem:$0x3F97]  }
0x1a: {  	s8 =	sadd.s32 $0xFFFFE003, lr  }
0x1b: {  	s9 =	sadd.s32 $0xFFFFFEF7, lr;
	s5 =	simm.s32 $0xFFFFFFFF;
	p2 =	slt.u32 s8, $0xFFFFF086  }
0x1c: {  	p1 =	slt.u32 s9, $0xF7A;
	s5 =	simm.s32 @!p2 $0x0  }
0x1d: {  	s5 =	simm.s32 @p1 $0x1;
	p0 =	seq.s32 s7, s2  }
0x1e: {  	s7 =	smul.u32 @!p0 $0xF7A, s2;
	p2 =	seq.s32 @!p0 s5, $0x0  }
0x1f: {  	s9 =	smul.u32 $0xF7A, s1;
	s8 =	simm.s32 @!p0 $0x1BF5;
	p2 =	por !p2, p0  }
0x20: {  	[sflag:s8] =	ssyncset.s32 @!p0 $0xFFFFF086;
	s6 =	sadd.s32 @!p0 s3, s7;
	s7 =	simm.s32 @!p0 $0x108  }
0x21: {  	s3 =	sadd.s32 s3, s9;
	s6 =	sadd.s32 @!p0 $0x88, s6;
	s7 =	simm.s32 @p2 $0x1082  }
0x22: {  	[simem:s7], [sflag:s8] =	dma.local @!p0 [hbm:s6], $0xF7A  }
0x23: {  	s9 =	sor.u32 $0xD0000000, s2;
	s6 =	simm.s32 $0x108;
	_ =	swait.ge @!p0 [sflag:s8], $0x0  }
0x24: {  	s3 =	sadd.s32 $0x88, s3;
	s6 =	simm.s32 @!p1 $0x1082;
	[sflag:s4] =	ssyncset.s32 $0xFFFFF086  }
0x25: {  	[simem:s6], [sflag:s4] =	dma.local [hbm:s3], $0xF7A  }
0x26: {  	[smem:$0x3F97] =	sst s1;
	(tag) =	ssettag s2;
	_ =	strace s9  }
0x27: {  	s1 =	sld [smem:$0x3FA7]  }
0x28: {  	s2 =	sld [smem:$0x3FA8]  }
0x29: {  	s4 =	sld [smem:$0x3FAA]  }
0x2a: {  	p0 =	seq.s32 s5, $0x0;
	s5 =	sld [smem:$0x3FAB]  }
0x2b: {  	s6 =	sld [smem:$0x3FAC]  }
0x2c: {  	s7 =	sld [smem:$0x3FAD]  }
0x2d: {  	s3 =	simm.s32 $0x108;
	s8 =	sld [smem:$0x3FAE]  }
0x2e: {  	s3 =	simm.s32 @!p0 $0x1082;
	s9 =	sld [smem:$0x3FAF]  }
0x2f: {  	lr =	sadd.s32 s0, s3;
	s0 =	sld [smem:$0x3FA6]  }
0x30: {  	s3 =	sld [smem:$0x3FA9]  }
0x31: {  	[smem:$0x3FB2] =	sst s10  }
0x32: {  	s10 =	sld [smem:$0x3FB0];
	_ =	sdelay $0x3  }
0x33: {  	p0 =	seq.s32 s10, $0x1;
	s10 =	sld [smem:$0x3FB2];
	_ =	sdelay $0x3  }
0x34: {  	[smem:$0x3FB2] =	sst s10  }
0x35: {  	s10 =	sld [smem:$0x3FB1];
	_ =	sdelay $0x3  }
0x36: {  	p1 =	seq.s32 s10, $0x1;
	s10 =	sld [smem:$0x3FB2];
	_ =	sdelay $0x3  }
0x37: {  	[smem:$0x3FB2] =	sst s10  }
0x38: {  	s10 =	sld [smem:$0x3FB3]  }
0x39: {  	_ = 	snop;
	(pc) =	sbr.ind lr, $3  }
0x3a: {  	_ = 	snop  }
0x3b: {  	_ = 	snop  }
0x3c: {  	p2 =	seq.s32 s10, $0x1;
	s10 =	sld [smem:$0x3FB2]  }
0x3d: {  	_ =	shalt  }
0x3e: {  	_ =	shalt  }
0x3f: {  	_ =	shalt  }
0x40: {  	_ =	shalt  }
0x41: {  	_ =	shalt  }
0x42: {  	_ =	shalt  }
0x43: {  	_ =	shalt  }
0x44: {  	_ =	shalt  }
0x45: {  	_ =	shalt  }
0x46: {  	_ =	shalt  }
0x47: {  	_ =	shalt  }
0x48: {  	_ =	shalt  }
0x49: {  	_ =	shalt  }
0x4a: {  	_ =	shalt  }
0x4b: {  	_ =	shalt  }
0x4c: {  	_ =	shalt  }
0x4d: {  	_ =	shalt  }
0x4e: {  	_ =	shalt  }
0x4f: {  	_ =	shalt  }
0x50: {  	_ =	shalt  }
0x51: {  	_ =	shalt  }
0x52: {  	_ =	shalt  }
0x53: {  	_ =	shalt  }
0x54: {  	_ =	shalt  }
0x55: {  	_ =	shalt  }
0x56: {  	_ =	shalt  }
0x57: {  	_ =	shalt  }
0x58: {  	_ =	shalt  }
0x59: {  	_ =	shalt  }
0x5a: {  	_ =	shalt  }
0x5b: {  	_ =	shalt  }
0x5c: {  	_ =	shalt  }
0x5d: {  	_ =	shalt  }
0x5e: {  	_ =	shalt  }
0x5f: {  	_ =	shalt  }
0x60: {  	_ =	shalt  }
0x61: {  	_ =	shalt  }
0x62: {  	_ =	shalt  }
0x63: {  	_ =	shalt  }
0x64: {  	_ =	shalt  }
0x65: {  	_ =	shalt  }
0x66: {  	_ =	shalt  }
0x67: {  	_ =	shalt  }
0x68: {  	_ =	shalt  }
0x69: {  	_ =	shalt  }
0x6a: {  	_ =	shalt  }
0x6b: {  	_ =	shalt  }
0x6c: {  	_ =	shalt  }
0x6d: {  	_ =	shalt  }
0x6e: {  	_ =	shalt  }
0x6f: {  	_ =	shalt  }
0x70: {  	_ =	shalt  }
0x71: {  	_ =	shalt  }
0x72: {  	_ =	shalt  }
0x73: {  	_ =	shalt  }
0x74: {  	_ =	shalt  }
0x75: {  	_ =	shalt  }
0x76: {  	_ =	shalt  }
0x77: {  	_ =	shalt  }
0x78: {  	_ =	shalt  }
0x79: {  	_ =	shalt  }
0x7a: {  	_ =	shalt  }
0x7b: {  	_ =	shalt  }
0x7c: {  	_ =	shalt  }
0x7d: {  	_ =	shalt  }
0x7e: {  	_ =	shalt  }
0x7f: {  	_ =	shalt  }
0x80: {  	_ =	shalt  }
0x81: {  	_ =	shalt  }
0x82: {  	_ =	shalt  }
0x83: {  	_ =	shalt  }
0x84: {  	_ =	shalt  }
0x85: {  	_ =	shalt  }
0x86: {  	_ =	shalt  }
0x87: {  	_ =	shalt  }
.Lfunc_end0:
.L_simem_size_0:
called_computation.1_lowered:
.L_overlay_start_0:
0x88: {  	s2 =	sld [smem:$0x3FD9]  }
0x89: {  	s3 =	sld [smem:$0x3FFE];
	_ =	sdelay $0x1  }
0x8a: {  	s1 =	srdreg.scid  }
0x8b: {  	s0 =	sand.u32 $0x1, s1  }
0x8c: {  	s14 =	sshll.u32 s0, $0xA;
	s2 =	sadd.s32 s3, s2  }
0x8d: {  	s2 =	sadd.s32 s2, s14  }
0x8e: {  	[smem:$0x3FBE] =	sst s2  }
0x8f: {  	_ = 	snop  }
0x90: {  	s2 =	sld [smem:$0x3FD0];
	_ =	sdelay $0x2  }
0x91: {  	s15 =	simm.s32 $0xA;
	s4 =	simm.s32 $0x10  }
0x92: {  	[smem:s4], [sflag:s15] =	dma.local [hbm:s2], $0x1  }
0x93: {  	_ =	swait.eq [sflag:s15], $0x1  }
0x94: {  	[sflag:s15] =	ssyncset.done $0x0  }
0x95: {  	[sflag:s15] =	ssyncadd.s32 $0xFFFFFFFF  }
0x96: {  	s16 =	sld [smem:$0x11];
	(tm) =	ssettm $0x1  }
0x97: {  	s17 =	sld [smem:$0x3FFB];
	_ =	sdelay $0x3  }
0x98: {  	_ =	strace s17  }
0x99: {  	s3 =	sld [smem:$0x3FFC];
	_ =	sdelay $0x3  }
0x9a: {  	_ =	strace s3  }
0x9b: {  	s3 =	sld [smem:$0x3FFD];
	_ =	sdelay $0x3  }
0x9c: {  	_ =	strace s3  }
0x9d: {  	_ =	strace $0x8FFFFFFF  }
0x9e: {  	s18 =	sld [smem:$0x3FDB];
	_ =	sdelay $0x1  }
0x9f: {  	s19 =	simm.s32 $_scs_section_size  }
0xa0: {  	s5 =	simm.s32 $_size__tile_overlayer_lowered;
	s6 =	simm.s32 $_tile_overlayer_lowered  }
0xa1: {  	s22 =	simm.s32 $0x1BFF;
	s21 =	sshll.u32 s6, $0x1;
	s3 =	sadd.s32 s19, s18  }
0xa2: {  	s7 =	simm.s32 $0x0;
	s20 =	sshll.u32 s5, $0x1;
	s5 =	sadd.s32 s21, s3  }
0xa3: {  	[timem:s7], [sflag:s22] =	dma.local [hbm:s5], s20  }
0xa4: {  	_ =	swait.ge [sflag:s22], s20  }
0xa5: {  	s4 =	ssub.s32 $0x0, s20;
	[sflag:s22] =	ssyncset.done $0x0  }
0xa6: {  	[sflag:s22] =	ssyncadd.s32 s4;
	_ =	sdelay $0x1  }
0xa7: {  	s23 =	simm.s32 $0x1B8B  }
0xa8: {  	_ =	swait.ge [sflag:s23], $0x1  }
0xa9: {  	[sflag:s23] =	ssyncset.done $0x0  }
0xaa: {  	s25 =	simm.s32 $0x1B8E;
	s24 =	sld [smem:$0x3FFE];
	[sflag:s23] =	ssyncadd.s32 $0xFFFFFFFF  }
0xab: {  	s26 =	simm.s32 $execute0_lowered;
	[smem:$0x3FD2] =	sst s25  }
0xac: {  	s5 =	sshll.u32 s26, $0x1;
	_ =	strace $0x80000049;
	[dreg:$0x1] =	wrdreg $0xFFFFFFFF  }
0xad: {  	s28 =	simm.s32 $_size_execute0_lowered;
	s3 =	sadd.s32 s3, s5;
	[dreg:$0x0] =	wrdreg $0x0  }
0xae: {  	s5 =	sshll.u32 s28, $0x1;
	[dreg:$0x2] =	wrdreg s3  }
0xaf: {  	[dreg:$0x3] =	wrdreg s5  }
0xb0: {  	[dreg:$0x4] =	wrdreg $0xC0  }
0xb1: {  	_ =	task [dreg:s7], $0x5FFFF  }
0xb2: {  	[dreg:$0x1] =	wrdreg $0xFFFFFFFF  }
0xb3: {  	[dreg:$0x0] =	wrdreg $0x60  }
0xb4: {  	[dreg:$0x2] =	wrdreg s24  }
0xb5: {  	[dreg:$0x3] =	wrdreg s16  }
0xb6: {  	[dreg:$0x4] =	wrdreg $0x14C800  }
0xb7: {  	[dreg:$0x5] =	wrdreg $0x9  }
0xb8: {  	_ =	task.clear_ibuf [dreg:s7], $0x6FFFF;
	_ =	strace $0x90000049  }
0xb9: {  	s29 =	simm.s32 $0x9;
	_ =	strace $0x8000004B  }
0xba: {  	_ =	swait.ge [sflag:s29], $0x1  }
0xbb: {  	[sflag:s29] =	ssyncadd.s32 $0xFFFFFFFF  }
0xbc: {  	_ =	strace $0x9000004B  }
0xbd: {  	_ =	sfence  }
0xbe: {  	s30 =	sld [smem:$0x0];
	_ =	sdelay $0x2  }
0xbf: {  	s31 =	sshll.u32 s1, $0xD;
	s1 =	sshrl.u32 s1, $0x2  }
0xc0: {  	s3 =	sand.u32 $0x4000, s31;
	s1 =	sadd.s32 s1, s30  }
0xc1: {  	s0 =	sor.u32 s3, s0;
	s1 =	sshll.u32 s1, $0x11  }
0xc2: {  	s0 =	sor.u32 s1, s0  }
0xc3: {  	s0 =	sadd.s32 $0x8F2B, s0  }
0xc4: {  	[sflag:s0] =	ssyncadd.remote.s32 $0x1  }
0xc5: {  	_ =	sfence.sel $0xFFFF  }
0xc6: {  	[dreg:$0x0] =	wrdreg $0xFFFFFFFF;
	(pc) =	sbr.abs _section_cstart, $3  }
0xc7: {  	[dreg:$0x1] =	wrdreg $0xFFFFFFFF  }
0xc8: {  	_ =	task.clear_ibuf [dreg:s7], $0x2FFFF;
	_ =	strace $0x9FFFFFFF  }
0xc9: {  	(tm) =	ssettm $0x7FFFFFFF  }
tec
execute0_lowered:
.L_overlay_start_1:
0x0: {  	(tag) =	ssettag $0x1  }
0x1: {  	s0 =	rddreg [dreg:$0x0]  }
0x2: {  	s5 =	rddreg [dreg:$0x1]  }
0x3: {  	s2 =	rddreg [dreg:$0x2];
	s3 =	simm.s32 $0x0  }
0x4: {  	s16 =	simm.s32 $0x80;
	[smem:$0x7FF] =	sst s3  }
0x5: {  	s17 =	simm.s32 $0x100;
	_ =	strace $0x8000004A;
	[dreg:$0x6] =	wrdreg s16  }
0x6: {  	s18 =	simm.s32 $0x180;
	[dreg:$0x7] =	wrdreg s17  }
0x7: {  	s19 =	simm.s32 $0x200;
	[dreg:$0x8] =	wrdreg s18  }
0x8: {  	s20 =	simm.s32 $0x280;
	[dreg:$0x9] =	wrdreg s19  }
0x9: {  	s1 =	srdreg.scid;
	s21 =	simm.s32 $0x300;
	[dreg:$0xa] =	wrdreg s20  }
0xa: {  	s31 =	stileid.u32;
	s22 =	simm.s32 $0x380;
	[dreg:$0xb] =	wrdreg s21  }
0xb: {  	s23 =	simm.s32 $0x400;
	s24 =	simm.s32 $0x480;
	[dreg:$0xc] =	wrdreg s22  }
0xc: {  	s25 =	simm.s32 $0x500;
	s26 =	simm.s32 $0x580;
	[dreg:$0xd] =	wrdreg s23  }
0xd: {  	s10 =	simm.s32 $0x680;
	s12 =	simm.s32 $0x700;
	[dreg:$0xe] =	wrdreg s24  }
0xe: {  	s14 =	simm.s32 $0x780;
	p0 =	por $0x0, $0x0;
	[dreg:$0xf] =	wrdreg s25  }
0xf: {  	s30 =	simm.s32 $0x10E00;
	s29 =	simm.s32 $0x11DA0;
	[dreg:$0x10] =	wrdreg s26  }
0x10: {  	s28 =	simm.s32 $0x13CE0;
	s6 =	sand.u32 $0x1, s1;
	[dreg:$0x12] =	wrdreg s10  }
0x11: {  	s15 =	sshll.u32 s31, $0x1;
	s4 =	smul.u32 $0x5000, s31;
	[dreg:$0x13] =	wrdreg s12  }
0x12: {  	s7 =	sor.u32 s6, s15;
	[dreg:$0x14] =	wrdreg s14;
	s15 =	simm.s32 $0x800  }
0x13: {  	s11 =	ssub.s32 $0x2, s6;
	s16 =	simm.s32 $0x880;
	[dreg:$0x15] =	wrdreg s15  }
0x14: {  	s17 =	sshll.u32 s31, $0x6;
	s18 =	simm.s32 $0x900;
	[dreg:$0x16] =	wrdreg s16  }
0x15: {  	s19 =	simm.s32 $0x980;
	s6 =	smul.u32 $0xA000, s6;
	[dreg:$0x17] =	wrdreg s18  }
0x16: {  	s20 =	simm.s32 $0xA00;
	s21 =	simm.s32 $0xA80;
	[dreg:$0x18] =	wrdreg s19  }
0x17: {  	s23 =	simm.s32 $0xB00;
	s24 =	simm.s32 $0xB80;
	[dreg:$0x19] =	wrdreg s20  }
0x18: {  	s25 =	simm.s32 $0xC00;
	s12 =	simm.s32 $0xE00;
	[dreg:$0x1a] =	wrdreg s21  }
0x19: {  	s14 =	simm.s32 $0xF00;
	s8 =	smul.u32 $0x280, s7;
	[dreg:$0x1b] =	wrdreg s23  }
0x1a: {  	s1 =	sshrl.u32 s4, $0x3;
	s7 =	smul.u32 $0x4E20, s7;
	[dreg:$0x1c] =	wrdreg s24  }
0x1b: {  	s13 =	sshrl.u32 s11, $0x1;
	s10 =	sadd.s32 s4, s2;
	[dreg:$0x1d] =	wrdreg s25  }
0x1c: {  	s4 =	sor.u32 $0x1C02, s17;
	[smem:$0x7F1] =	sst s12;
	s12 =	simm.s32 $0x42E0  }
0x1d: {  	[smem:$0x7F3] =	sst s14;
	s15 =	simm.s32 $0xF80;
	s14 =	simm.s32 $0x6220  }
0x1e: {  	s16 =	simm.s32 $0x1000;
	s17 =	simm.s32 $0x1080;
	s18 =	simm.s32 $0x1100  }
0x1f: {  	s19 =	simm.s32 $0x1180;
	s20 =	simm.s32 $0x1200;
	[smem:$0x7F4] =	sst s15  }
0x20: {  	s21 =	simm.s32 $0x1280;
	s23 =	simm.s32 $0x1300;
	[smem:$0x7F5] =	sst s16  }
0x21: {  	s24 =	simm.s32 $0x1380;
	s9 =	sadd.s32 s1, s0;
	[smem:$0x7F6] =	sst s17  }
0x22: {  	s22 =	sadd.s32 s5, s6;
	s5 =	sshrl.u32 s10, $0x3;
	[smem:$0x7F7] =	sst s18  }
0x23: {  	s6 =	simm.s32 $0x2;
	s10 =	simm.s32 $0xD00;
	[smem:$0x7F8] =	sst s19  }
0x24: {  	s15 =	simm.s32 $0x71C0;
	s16 =	simm.s32 $0x8160;
	[smem:$0x7F9] =	sst s20  }
0x25: {  	s17 =	simm.s32 $0x9100;
	s18 =	simm.s32 $0xA0A0;
	[smem:$0x7FA] =	sst s21  }
0x26: {  	s19 =	simm.s32 $0xB040;
	s20 =	simm.s32 $0xBFE0;
	[smem:$0x7FB] =	sst s23  }
0x27: {  	s21 =	simm.s32 $0xCF80;
	[smem:$0x7FC] =	sst s24;
	s23 =	simm.s32 $0xDF20  }
0x28: {  	s24 =	simm.s32 $0xEEC0;
	s8 =	sadd.s32 s8, s0;
	s9 =	sadd.s32 $0x9DA00, s9  }
0x29: {  	s0 =	sadd.s32 s7, s0;
	s7 =	simm.s32 $0xC80;
	[dreg:$0x1f] =	wrdreg s10  }
0x2a: {  	s10 =	simm.s32 $0x23A0;
	[dreg:$0x4] =	wrdreg s9;
	s9 =	simm.s32 $0x600  }
0x2b: {  	s25 =	sadd.s32 s1, s22;
	[dreg:$0x11] =	wrdreg s9;
	s9 =	ssub.s32 s11, s13  }
0x2c: {  	s22 =	simm.s32 $0x1;
	[dreg:$0x1e] =	wrdreg s7;
	s26 =	smax.u32 s9, $0x1  }
0x2d: {  	s8 =	sadd.s32 $0x13EE00, s8;
	[smem:$0x7FD] =	sst s25;
	p1 =	sne.s32 s26, $0x1  }
.Ltmp0:
0x2e: {  	s7 =	simm.s32 $0x7D;
	[dreg:$0x5] =	wrdreg s8;
	(pc) =	sbr.rel @!p1 .LBB2_5-.Ltmp0, $4  }
0x2f: {  	s8 =	sadd.s32 $0x1600, s0;
	s11 =	simm.s32 $0xD80;
	s0 =	rddreg [dreg:$0x4]  }
0x30: {  	s25 =	simm.s32 $0xFE60;
	s13 =	simm.s32 $0xE80;
	[smem:$0x7F0] =	sst s11  }
0x31: {  	s9 =	simm.s32 $0x1400;
	s11 =	simm.s32 $0x3340;
	[smem:$0x7F2] =	sst s13  }
0x32: {  	s13 =	simm.s32 $0x5280;
	s1 =	sadd.s32 $0xFFFFFFFF, s26;
	s26 =	simm.s32 $0x12D40  }
0x33: {  	[spmem:s5], [sflag:s4] =	dma.local [hbm:s0], $0xA00  }
0x34: {  	_ =	swait.ge [sflag:s6], $0xA00  }
0x35: {  	[sflag:s6] =	ssyncset.done $0x0  }
0x36: {  	[sflag:s6] =	ssyncadd.s32 $0xFFFFF600  }
0x37: {  	[bflag:$0x0] =	sbarrier.arrive $0xFFFF  }
0x38: {  	s0 =	rddreg [dreg:$0x5]  }
0x39: {  	[tilespmem:s3], [sflag:$0x2] =	stream.linear.gather [hbm4b:s0+s3], $0x1400, $0x38;
	[tilespmem:$0x19C80] =	vst v63  }
0x3a: {  	_ =	swait.ge [sflag:s6], $0x1400  }
0x3b: {  	[sflag:s6] =	ssyncset.done $0x0  }
0x3c: {  	[sflag:s6] =	ssyncadd.s32 $0xFFFFEC00  }
0x3d: {  	[tilespmem:s9], [sflag:$0x2] =	stream.linear.gather [hbm4b:s8+s3], $0x13880, $0x38;
	[tilespmem:$0x19C80] =	vst v63  }
0x3e: {  	_ =	swait.ge [sflag:s6], $0x13880  }
0x3f: {  	[sflag:s6] =	ssyncset.done $0x0  }
0x40: {  	[sflag:s6] =	ssyncadd.s32 $0xFFFEC780  }
0x41: {  	[spmem:s2] =	stream.indirect.scatter.add.f32 [tilespmem:s9], [sflag:$0x1], $0x20, s3, s7, $0xb8;
	[tilespmem:$0x19C80] =	vst v63  }
0x42: {  	s0 =	rddreg [dreg:$0x6]  }
0x43: {  	[spmem:s2] =	stream.indirect.scatter.add.f32 [tilespmem:s10], [sflag:$0x1], $0x20, s0, s7, $0xb8;
	[tilespmem:$0x19C80] =	vst v63  }
0x44: {  	s31 =	rddreg [dreg:$0x7]  }
0x45: {  	[spmem:s2] =	stream.indirect.scatter.add.f32 [tilespmem:s11], [sflag:$0x1], $0x20, s31, s7, $0xb8;
	[tilespmem:$0x19C80] =	vst v63  }
0x46: {  	s0 =	rddreg [dreg:$0x8]  }
0x47: {  	[spmem:s2] =	stream.indirect.scatter.add.f32 [tilespmem:s12], [sflag:$0x1], $0x20, s0, s7, $0xb8;
	[tilespmem:$0x19C80] =	vst v63  }
0x48: {  	s31 =	rddreg [dreg:$0x9]  }
0x49: {  	[spmem:s2] =	stream.indirect.scatter.add.f32 [tilespmem:s13], [sflag:$0x1], $0x20, s31, s7, $0xb8;
	[tilespmem:$0x19C80] =	vst v63  }
0x4a: {  	s0 =	rddreg [dreg:$0xa]  }
0x4b: {  	[spmem:s2] =	stream.indirect.scatter.add.f32 [tilespmem:s14], [sflag:$0x1], $0x20, s0, s7, $0xb8;
	[tilespmem:$0x19C80] =	vst v63  }
0x4c: {  	s31 =	rddreg [dreg:$0xb]  }
0x4d: {  	[spmem:s2] =	stream.indirect.scatter.add.f32 [tilespmem:s15], [sflag:$0x1], $0x20, s31, s7, $0xb8;
	[tilespmem:$0x19C80] =	vst v63  }
0x4e: {  	s0 =	rddreg [dreg:$0xc]  }
0x4f: {  	[spmem:s2] =	stream.indirect.scatter.add.f32 [tilespmem:s16], [sflag:$0x1], $0x20, s0, s7, $0xb8;
	[tilespmem:$0x19C80] =	vst v63  }
0x50: {  	s31 =	rddreg [dreg:$0xd]  }
0x51: {  	[spmem:s2] =	stream.indirect.scatter.add.f32 [tilespmem:s17], [sflag:$0x1], $0x20, s31, s7, $0xb8;
	[tilespmem:$0x19C80] =	vst v63  }
0x52: {  	s0 =	rddreg [dreg:$0xe]  }
0x53: {  	[spmem:s2] =	stream.indirect.scatter.add.f32 [tilespmem:s18], [sflag:$0x1], $0x20, s0, s7, $0xb8;
	[tilespmem:$0x19C80] =	vst v63  }
0x54: {  	s31 =	rddreg [dreg:$0xf]  }
0x55: {  	[spmem:s2] =	stream.indirect.scatter.add.f32 [tilespmem:s19], [sflag:$0x1], $0x20, s31, s7, $0xb8;
	[tilespmem:$0x19C80] =	vst v63  }
0x56: {  	s0 =	rddreg [dreg:$0x10]  }
0x57: {  	[spmem:s2] =	stream.indirect.scatter.add.f32 [tilespmem:s20], [sflag:$0x1], $0x20, s0, s7, $0xb8;
	[tilespmem:$0x19C80] =	vst v63  }
0x58: {  	s31 =	rddreg [dreg:$0x11]  }
0x59: {  	[spmem:s2] =	stream.indirect.scatter.add.f32 [tilespmem:s21], [sflag:$0x1], $0x20, s31, s7, $0xb8;
	[tilespmem:$0x19C80] =	vst v63  }
0x5a: {  	s0 =	rddreg [dreg:$0x12]  }
0x5b: {  	[spmem:s2] =	stream.indirect.scatter.add.f32 [tilespmem:s23], [sflag:$0x1], $0x20, s0, s7, $0xb8;
	[tilespmem:$0x19C80] =	vst v63  }
0x5c: {  	s31 =	rddreg [dreg:$0x13]  }
0x5d: {  	[spmem:s2] =	stream.indirect.scatter.add.f32 [tilespmem:s24], [sflag:$0x1], $0x20, s31, s7, $0xb8;
	[tilespmem:$0x19C80] =	vst v63  }
0x5e: {  	s0 =	rddreg [dreg:$0x14]  }
0x5f: {  	[spmem:s2] =	stream.indirect.scatter.add.f32 [tilespmem:s25], [sflag:$0x1], $0x20, s0, s7, $0xb8;
	[tilespmem:$0x19C80] =	vst v63  }
0x60: {  	s31 =	rddreg [dreg:$0x15]  }
0x61: {  	[spmem:s2] =	stream.indirect.scatter.add.f32 [tilespmem:s30], [sflag:$0x1], $0x20, s31, s7, $0xb8;
	[tilespmem:$0x19C80] =	vst v63  }
0x62: {  	s0 =	rddreg [dreg:$0x16]  }
0x63: {  	[spmem:s2] =	stream.indirect.scatter.add.f32 [tilespmem:s29], [sflag:$0x1], $0x20, s0, s7, $0xb8;
	[tilespmem:$0x19C80] =	vst v63  }
0x64: {  	s31 =	rddreg [dreg:$0x17]  }
0x65: {  	[spmem:s2] =	stream.indirect.scatter.add.f32 [tilespmem:s26], [sflag:$0x1], $0x20, s31, s7, $0xb8;
	[tilespmem:$0x19C80] =	vst v63  }
0x66: {  	s0 =	rddreg [dreg:$0x18]  }
0x67: {  	[spmem:s2] =	stream.indirect.scatter.add.f32 [tilespmem:s28], [sflag:$0x1], $0x20, s0, s7, $0xb8;
	[tilespmem:$0x19C80] =	vst v63  }
0x68: {  	_ =	swait.ge [sflag:s22], $0x13880  }
0x69: {  	s0 =	sadd.s32 $0x2710, s8;
	[sflag:s22] =	ssyncset.done $0x0  }
0x6a: {  	[smem:$0x7EF] =	sst s0;
	[sflag:s22] =	ssyncadd.s32 $0xFFFEC780  }
0x6b: {  	[tilespmem:s9], [sflag:$0x2] =	stream.linear.gather [hbm4b:s0+s3], $0x13880, $0x38;
	[tilespmem:$0x19C80] =	vst v63  }
0x6c: {  	_ =	swait.ge [sflag:s6], $0x13880  }
0x6d: {  	s0 =	rddreg [dreg:$0x19];
	[sflag:s6] =	ssyncset.done $0x0  }
0x6e: {  	s31 =	smov.u32 s1;
	s1 =	rddreg [dreg:$0x1a];
	[sflag:s6] =	ssyncadd.s32 $0xFFFEC780  }
0x6f: {  	[spmem:s2] =	stream.indirect.scatter.add.f32 [tilespmem:s9], [sflag:$0x1], $0x20, s0, s7, $0xb8;
	[tilespmem:$0x19C80] =	vst v63  }
0x70: {  	s0 =	rddreg [dreg:$0x1b]  }
0x71: {  	[spmem:s2] =	stream.indirect.scatter.add.f32 [tilespmem:s10], [sflag:$0x1], $0x20, s1, s7, $0xb8;
	[tilespmem:$0x19C80] =	vst v63  }
0x72: {  	s10 =	rddreg [dreg:$0x1c]  }
0x73: {  	[spmem:s2] =	stream.indirect.scatter.add.f32 [tilespmem:s11], [sflag:$0x1], $0x20, s0, s7, $0xb8;
	[tilespmem:$0x19C80] =	vst v63  }
0x74: {  	s11 =	rddreg [dreg:$0x1d]  }
0x75: {  	[spmem:s2] =	stream.indirect.scatter.add.f32 [tilespmem:s12], [sflag:$0x1], $0x20, s10, s7, $0xb8;
	[tilespmem:$0x19C80] =	vst v63  }
0x76: {  	s10 =	rddreg [dreg:$0x1e]  }
0x77: {  	[spmem:s2] =	stream.indirect.scatter.add.f32 [tilespmem:s13], [sflag:$0x1], $0x20, s11, s7, $0xb8;
	[tilespmem:$0x19C80] =	vst v63  }
0x78: {  	s12 =	sld [smem:$0x7F0]  }
0x79: {  	[spmem:s2] =	stream.indirect.scatter.add.f32 [tilespmem:s14], [sflag:$0x1], $0x20, s10, s7, $0xb8;
	[tilespmem:$0x19C80] =	vst v63  }
0x7a: {  	s11 =	rddreg [dreg:$0x1f]  }
0x7b: {  	[spmem:s2] =	stream.indirect.scatter.add.f32 [tilespmem:s15], [sflag:$0x1], $0x20, s11, s7, $0xb8;
	[tilespmem:$0x19C80] =	vst v63  }
0x7c: {  	s13 =	sld [smem:$0x7F1]  }
0x7d: {  	[spmem:s2] =	stream.indirect.scatter.add.f32 [tilespmem:s16], [sflag:$0x1], $0x20, s12, s7, $0xb8;
	[tilespmem:$0x19C80] =	vst v63  }
0x7e: {  	s14 =	sld [smem:$0x7F2]  }
0x7f: {  	[spmem:s2] =	stream.indirect.scatter.add.f32 [tilespmem:s17], [sflag:$0x1], $0x20, s13, s7, $0xb8;
	[tilespmem:$0x19C80] =	vst v63  }
0x80: {  	s15 =	sld [smem:$0x7F3]  }
0x81: {  	[spmem:s2] =	stream.indirect.scatter.add.f32 [tilespmem:s18], [sflag:$0x1], $0x20, s14, s7, $0xb8;
	[tilespmem:$0x19C80] =	vst v63  }
0x82: {  	s16 =	sld [smem:$0x7F4]  }
0x83: {  	[spmem:s2] =	stream.indirect.scatter.add.f32 [tilespmem:s19], [sflag:$0x1], $0x20, s15, s7, $0xb8;
	[tilespmem:$0x19C80] =	vst v63  }
0x84: {  	s17 =	sld [smem:$0x7F5]  }
0x85: {  	[spmem:s2] =	stream.indirect.scatter.add.f32 [tilespmem:s20], [sflag:$0x1], $0x20, s16, s7, $0xb8;
	[tilespmem:$0x19C80] =	vst v63  }
0x86: {  	s18 =	sld [smem:$0x7F6]  }
0x87: {  	[spmem:s2] =	stream.indirect.scatter.add.f32 [tilespmem:s21], [sflag:$0x1], $0x20, s17, s7, $0xb8;
	[tilespmem:$0x19C80] =	vst v63  }
0x88: {  	s19 =	sld [smem:$0x7F7]  }
0x89: {  	[spmem:s2] =	stream.indirect.scatter.add.f32 [tilespmem:s23], [sflag:$0x1], $0x20, s18, s7, $0xb8;
	[tilespmem:$0x19C80] =	vst v63  }
0x8a: {  	s20 =	sld [smem:$0x7F8]  }
0x8b: {  	[spmem:s2] =	stream.indirect.scatter.add.f32 [tilespmem:s24], [sflag:$0x1], $0x20, s19, s7, $0xb8;
	[tilespmem:$0x19C80] =	vst v63  }
0x8c: {  	s21 =	sld [smem:$0x7F9]  }
0x8d: {  	[spmem:s2] =	stream.indirect.scatter.add.f32 [tilespmem:s25], [sflag:$0x1], $0x20, s20, s7, $0xb8;
	[tilespmem:$0x19C80] =	vst v63  }
0x8e: {  	s23 =	sld [smem:$0x7FA]  }
0x8f: {  	[spmem:s2] =	stream.indirect.scatter.add.f32 [tilespmem:s30], [sflag:$0x1], $0x20, s21, s7, $0xb8;
	[tilespmem:$0x19C80] =	vst v63  }
0x90: {  	s24 =	sld [smem:$0x7FB]  }
0x91: {  	[spmem:s2] =	stream.indirect.scatter.add.f32 [tilespmem:s29], [sflag:$0x1], $0x20, s23, s7, $0xb8;
	[tilespmem:$0x19C80] =	vst v63  }
0x92: {  	p0 =	por $0x1, $0x1;
	s25 =	sld [smem:$0x7FC]  }
0x93: {  	[spmem:s2] =	stream.indirect.scatter.add.f32 [tilespmem:s26], [sflag:$0x1], $0x20, s24, s7, $0xb8;
	[tilespmem:$0x19C80] =	vst v63  }
0x94: {  	p1 =	sne.s32 s31, $0x1;
	s1 =	sadd.s32 $0xFFFFFFFF, s31;
	s31 =	simm.s32 $0x10E00  }
0x95: {  	[spmem:s2] =	stream.indirect.scatter.add.f32 [tilespmem:s28], [sflag:$0x1], $0x20, s25, s7, $0xb8;
	[tilespmem:$0x19C80] =	vst v63  }
0x96: {  	s11 =	simm.s32 $0x23A0;
	s12 =	simm.s32 $0x3340;
	_ =	swait.ge [sflag:s22], $0x13880  }
0x97: {  	s13 =	simm.s32 $0x42E0;
	s14 =	simm.s32 $0x5280;
	[sflag:s22] =	ssyncset.done $0x0  }
0x98: {  	s15 =	simm.s32 $0x6220;
	s16 =	simm.s32 $0x71C0;
	[sflag:s22] =	ssyncadd.s32 $0xFFFEC780  }
0x99: {  	s17 =	simm.s32 $0x8160;
	s18 =	simm.s32 $0x9100;
	[bflag:$0x0] =	sbarrier.arrive $0xFFFF  }
0x9a: {  	s19 =	simm.s32 $0xA0A0;
	s20 =	simm.s32 $0xB040;
	s26 =	sld [smem:$0x7FD]  }
.Ltmp1:
0x9b: {  	s30 =	simm.s32 $0x11DA0;
	s21 =	simm.s32 $0xBFE0;
	(pc) =	sbr.rel @!p1 .LBB2_2-.Ltmp1, $4  }
0x9c: {  	s29 =	simm.s32 $0x13CE0;
	s23 =	simm.s32 $0xCF80;
	s24 =	simm.s32 $0xDF20  }
0x9d: {  	[hbm:s26], [sflag:s4] =	dma.local [spmem:s5], $0xA00  }
0x9e: {  	s28 =	simm.s32 $0x12D40;
	s25 =	simm.s32 $0xEEC0;
	_ =	swait.ge [sflag:s6], $0xA00  }
0x9f: {  	s26 =	simm.s32 $0xFE60;
	s0 =	rddreg [dreg:$0x4];
	[sflag:s6] =	ssyncset.done $0x0  }
.LBB2_3:
0xa0: {  	[sflag:s6] =	ssyncadd.s32 $0xFFFFF600  }
0xa1: {  	[spmem:s5], [sflag:s4] =	dma.local [hbm:s0], $0xA00  }
0xa2: {  	_ =	swait.ge [sflag:s6], $0xA00  }
0xa3: {  	[sflag:s6] =	ssyncset.done $0x0  }
0xa4: {  	[sflag:s6] =	ssyncadd.s32 $0xFFFFF600  }
0xa5: {  	[bflag:$0x0] =	sbarrier.arrive $0xFFFF  }
0xa6: {  	s10 =	rddreg [dreg:$0x5]  }
0xa7: {  	[tilespmem:s3], [sflag:$0x2] =	stream.linear.gather [hbm4b:s10+s3], $0x1400, $0x38;
	[tilespmem:$0x19C80] =	vst v63  }
0xa8: {  	_ =	swait.ge [sflag:s6], $0x1400  }
0xa9: {  	[sflag:s6] =	ssyncset.done $0x0  }
0xaa: {  	[sflag:s6] =	ssyncadd.s32 $0xFFFFEC00  }
0xab: {  	[tilespmem:s9], [sflag:$0x2] =	stream.linear.gather [hbm4b:s8+s3], $0x13880, $0x38;
	[tilespmem:$0x19C80] =	vst v63  }
0xac: {  	_ =	swait.ge [sflag:s6], $0x13880  }
0xad: {  	[sflag:s6] =	ssyncset.done $0x0  }
0xae: {  	[sflag:s6] =	ssyncadd.s32 $0xFFFEC780  }
0xaf: {  	[spmem:s2] =	stream.indirect.scatter.add.f32 [tilespmem:s9], [sflag:$0x1], $0x20, s3, s7, $0xb8;
	[tilespmem:$0x19C80] =	vst v63  }
0xb0: {  	s0 =	rddreg [dreg:$0x6]  }
0xb1: {  	[spmem:s2] =	stream.indirect.scatter.add.f32 [tilespmem:s11], [sflag:$0x1], $0x20, s0, s7, $0xb8;
	[tilespmem:$0x19C80] =	vst v63  }
0xb2: {  	s10 =	smov.u32 s8;
	s8 =	rddreg [dreg:$0x7]  }
0xb3: {  	[spmem:s2] =	stream.indirect.scatter.add.f32 [tilespmem:s12], [sflag:$0x1], $0x20, s8, s7, $0xb8;
	[tilespmem:$0x19C80] =	vst v63  }
0xb4: {  	s0 =	rddreg [dreg:$0x8]  }
0xb5: {  	[spmem:s2] =	stream.indirect.scatter.add.f32 [tilespmem:s13], [sflag:$0x1], $0x20, s0, s7, $0xb8;
	[tilespmem:$0x19C80] =	vst v63  }
0xb6: {  	s8 =	rddreg [dreg:$0x9]  }
0xb7: {  	[spmem:s2] =	stream.indirect.scatter.add.f32 [tilespmem:s14], [sflag:$0x1], $0x20, s8, s7, $0xb8;
	[tilespmem:$0x19C80] =	vst v63  }
0xb8: {  	s0 =	rddreg [dreg:$0xa]  }
0xb9: {  	[spmem:s2] =	stream.indirect.scatter.add.f32 [tilespmem:s15], [sflag:$0x1], $0x20, s0, s7, $0xb8;
	[tilespmem:$0x19C80] =	vst v63  }
0xba: {  	s8 =	rddreg [dreg:$0xb]  }
0xbb: {  	[spmem:s2] =	stream.indirect.scatter.add.f32 [tilespmem:s16], [sflag:$0x1], $0x20, s8, s7, $0xb8;
	[tilespmem:$0x19C80] =	vst v63  }
0xbc: {  	s0 =	rddreg [dreg:$0xc]  }
0xbd: {  	[spmem:s2] =	stream.indirect.scatter.add.f32 [tilespmem:s17], [sflag:$0x1], $0x20, s0, s7, $0xb8;
	[tilespmem:$0x19C80] =	vst v63  }
0xbe: {  	s8 =	rddreg [dreg:$0xd]  }
0xbf: {  	[spmem:s2] =	stream.indirect.scatter.add.f32 [tilespmem:s18], [sflag:$0x1], $0x20, s8, s7, $0xb8;
	[tilespmem:$0x19C80] =	vst v63  }
0xc0: {  	s0 =	rddreg [dreg:$0xe]  }
0xc1: {  	[spmem:s2] =	stream.indirect.scatter.add.f32 [tilespmem:s19], [sflag:$0x1], $0x20, s0, s7, $0xb8;
	[tilespmem:$0x19C80] =	vst v63  }
0xc2: {  	s8 =	rddreg [dreg:$0xf]  }
0xc3: {  	[spmem:s2] =	stream.indirect.scatter.add.f32 [tilespmem:s20], [sflag:$0x1], $0x20, s8, s7, $0xb8;
	[tilespmem:$0x19C80] =	vst v63  }
0xc4: {  	s0 =	rddreg [dreg:$0x10]  }
0xc5: {  	[spmem:s2] =	stream.indirect.scatter.add.f32 [tilespmem:s21], [sflag:$0x1], $0x20, s0, s7, $0xb8;
	[tilespmem:$0x19C80] =	vst v63  }
0xc6: {  	s8 =	rddreg [dreg:$0x11]  }
0xc7: {  	[spmem:s2] =	stream.indirect.scatter.add.f32 [tilespmem:s23], [sflag:$0x1], $0x20, s8, s7, $0xb8;
	[tilespmem:$0x19C80] =	vst v63  }
0xc8: {  	s0 =	rddreg [dreg:$0x12]  }
0xc9: {  	[spmem:s2] =	stream.indirect.scatter.add.f32 [tilespmem:s24], [sflag:$0x1], $0x20, s0, s7, $0xb8;
	[tilespmem:$0x19C80] =	vst v63  }
0xca: {  	s8 =	rddreg [dreg:$0x13]  }
0xcb: {  	[spmem:s2] =	stream.indirect.scatter.add.f32 [tilespmem:s25], [sflag:$0x1], $0x20, s8, s7, $0xb8;
	[tilespmem:$0x19C80] =	vst v63  }
0xcc: {  	s0 =	rddreg [dreg:$0x14]  }
0xcd: {  	[spmem:s2] =	stream.indirect.scatter.add.f32 [tilespmem:s26], [sflag:$0x1], $0x20, s0, s7, $0xb8;
	[tilespmem:$0x19C80] =	vst v63  }
0xce: {  	s8 =	rddreg [dreg:$0x15]  }
0xcf: {  	[spmem:s2] =	stream.indirect.scatter.add.f32 [tilespmem:s31], [sflag:$0x1], $0x20, s8, s7, $0xb8;
	[tilespmem:$0x19C80] =	vst v63  }
0xd0: {  	s0 =	rddreg [dreg:$0x16]  }
0xd1: {  	[spmem:s2] =	stream.indirect.scatter.add.f32 [tilespmem:s30], [sflag:$0x1], $0x20, s0, s7, $0xb8;
	[tilespmem:$0x19C80] =	vst v63  }
0xd2: {  	s8 =	rddreg [dreg:$0x17]  }
0xd3: {  	[spmem:s2] =	stream.indirect.scatter.add.f32 [tilespmem:s28], [sflag:$0x1], $0x20, s8, s7, $0xb8;
	[tilespmem:$0x19C80] =	vst v63  }
0xd4: {  	s0 =	rddreg [dreg:$0x18]  }
0xd5: {  	[spmem:s2] =	stream.indirect.scatter.add.f32 [tilespmem:s29], [sflag:$0x1], $0x20, s0, s7, $0xb8;
	[tilespmem:$0x19C80] =	vst v63  }
0xd6: {  	_ =	swait.ge [sflag:s22], $0x13880  }
0xd7: {  	s8 =	sld [smem:$0x7EF]  }
0xd8: {  	[sflag:s22] =	ssyncset.done $0x0  }
0xd9: {  	[sflag:s22] =	ssyncadd.s32 $0xFFFEC780  }
0xda: {  	[tilespmem:s9], [sflag:$0x2] =	stream.linear.gather [hbm4b:s8+s3], $0x13880, $0x38;
	[tilespmem:$0x19C80] =	vst v63  }
0xdb: {  	_ =	swait.ge [sflag:s6], $0x13880  }
0xdc: {  	s0 =	rddreg [dreg:$0x19];
	[sflag:s6] =	ssyncset.done $0x0  }
0xdd: {  	s8 =	rddreg [dreg:$0x1a];
	[sflag:s6] =	ssyncadd.s32 $0xFFFEC780  }
0xde: {  	[spmem:s2] =	stream.indirect.scatter.add.f32 [tilespmem:s9], [sflag:$0x1], $0x20, s0, s7, $0xb8;
	[tilespmem:$0x19C80] =	vst v63  }
0xdf: {  	s0 =	rddreg [dreg:$0x1b]  }
0xe0: {  	[spmem:s2] =	stream.indirect.scatter.add.f32 [tilespmem:s11], [sflag:$0x1], $0x20, s8, s7, $0xb8;
	[tilespmem:$0x19C80] =	vst v63  }
0xe1: {  	s8 =	rddreg [dreg:$0x1c]  }
0xe2: {  	[spmem:s2] =	stream.indirect.scatter.add.f32 [tilespmem:s12], [sflag:$0x1], $0x20, s0, s7, $0xb8;
	[tilespmem:$0x19C80] =	vst v63  }
0xe3: {  	s0 =	rddreg [dreg:$0x1d]  }
0xe4: {  	[spmem:s2] =	stream.indirect.scatter.add.f32 [tilespmem:s13], [sflag:$0x1], $0x20, s8, s7, $0xb8;
	[tilespmem:$0x19C80] =	vst v63  }
0xe5: {  	s8 =	rddreg [dreg:$0x1e]  }
0xe6: {  	[spmem:s2] =	stream.indirect.scatter.add.f32 [tilespmem:s14], [sflag:$0x1], $0x20, s0, s7, $0xb8;
	[tilespmem:$0x19C80] =	vst v63  }
0xe7: {  	s0 =	rddreg [dreg:$0x1f]  }
0xe8: {  	[spmem:s2] =	stream.indirect.scatter.add.f32 [tilespmem:s15], [sflag:$0x1], $0x20, s8, s7, $0xb8;
	[tilespmem:$0x19C80] =	vst v63  }
0xe9: {  	s8 =	sld [smem:$0x7F0]  }
0xea: {  	[spmem:s2] =	stream.indirect.scatter.add.f32 [tilespmem:s16], [sflag:$0x1], $0x20, s0, s7, $0xb8;
	[tilespmem:$0x19C80] =	vst v63  }
0xeb: {  	s0 =	sld [smem:$0x7F1]  }
0xec: {  	[spmem:s2] =	stream.indirect.scatter.add.f32 [tilespmem:s17], [sflag:$0x1], $0x20, s8, s7, $0xb8;
	[tilespmem:$0x19C80] =	vst v63  }
0xed: {  	s8 =	sld [smem:$0x7F2]  }
0xee: {  	[spmem:s2] =	stream.indirect.scatter.add.f32 [tilespmem:s18], [sflag:$0x1], $0x20, s0, s7, $0xb8;
	[tilespmem:$0x19C80] =	vst v63  }
0xef: {  	s0 =	sld [smem:$0x7F3]  }
0xf0: {  	[spmem:s2] =	stream.indirect.scatter.add.f32 [tilespmem:s19], [sflag:$0x1], $0x20, s8, s7, $0xb8;
	[tilespmem:$0x19C80] =	vst v63  }
0xf1: {  	s8 =	sld [smem:$0x7F4]  }
0xf2: {  	[spmem:s2] =	stream.indirect.scatter.add.f32 [tilespmem:s20], [sflag:$0x1], $0x20, s0, s7, $0xb8;
	[tilespmem:$0x19C80] =	vst v63  }
0xf3: {  	s0 =	sld [smem:$0x7F5]  }
0xf4: {  	[spmem:s2] =	stream.indirect.scatter.add.f32 [tilespmem:s21], [sflag:$0x1], $0x20, s8, s7, $0xb8;
	[tilespmem:$0x19C80] =	vst v63  }
0xf5: {  	s8 =	sld [smem:$0x7F6]  }
0xf6: {  	[spmem:s2] =	stream.indirect.scatter.add.f32 [tilespmem:s23], [sflag:$0x1], $0x20, s0, s7, $0xb8;
	[tilespmem:$0x19C80] =	vst v63  }
0xf7: {  	s0 =	sld [smem:$0x7F7]  }
0xf8: {  	[spmem:s2] =	stream.indirect.scatter.add.f32 [tilespmem:s24], [sflag:$0x1], $0x20, s8, s7, $0xb8;
	[tilespmem:$0x19C80] =	vst v63  }
0xf9: {  	s8 =	sld [smem:$0x7F8]  }
0xfa: {  	[spmem:s2] =	stream.indirect.scatter.add.f32 [tilespmem:s25], [sflag:$0x1], $0x20, s0, s7, $0xb8;
	[tilespmem:$0x19C80] =	vst v63  }
0xfb: {  	s0 =	sld [smem:$0x7F9]  }
0xfc: {  	[spmem:s2] =	stream.indirect.scatter.add.f32 [tilespmem:s26], [sflag:$0x1], $0x20, s8, s7, $0xb8;
	[tilespmem:$0x19C80] =	vst v63  }
0xfd: {  	s8 =	sld [smem:$0x7FA]  }
0xfe: {  	[spmem:s2] =	stream.indirect.scatter.add.f32 [tilespmem:s31], [sflag:$0x1], $0x20, s0, s7, $0xb8;
	[tilespmem:$0x19C80] =	vst v63  }
0xff: {  	s0 =	sld [smem:$0x7FB]  }
0x100: {  	[spmem:s2] =	stream.indirect.scatter.add.f32 [tilespmem:s30], [sflag:$0x1], $0x20, s8, s7, $0xb8;
	[tilespmem:$0x19C80] =	vst v63  }
0x101: {  	s8 =	sld [smem:$0x7FC]  }
0x102: {  	[spmem:s2] =	stream.indirect.scatter.add.f32 [tilespmem:s28], [sflag:$0x1], $0x20, s0, s7, $0xb8;
	[tilespmem:$0x19C80] =	vst v63  }
0x103: {  	_ = 	snop  }
0x104: {  	[spmem:s2] =	stream.indirect.scatter.add.f32 [tilespmem:s29], [sflag:$0x1], $0x20, s8, s7, $0xb8;
	[tilespmem:$0x19C80] =	vst v63  }
0x105: {  	_ =	swait.ge [sflag:s22], $0x13880  }
0x106: {  	[sflag:s22] =	ssyncset.done $0x0  }
0x107: {  	[sflag:s22] =	ssyncadd.s32 $0xFFFEC780  }
0x108: {  	[bflag:$0x0] =	sbarrier.arrive $0xFFFF  }
0x109: {  	p1 =	sne.s32 s1, $0x1;
	s8 =	smov.u32 s10;
	s10 =	sld [smem:$0x7FD]  }
.Ltmp2:
0x10a: {  	_ = 	snop;
	(pc) =	sbr.rel @p1 .LBB2_3-.Ltmp2, $4  }
0x10b: {  	_ = 	snop  }
0x10c: {  	[hbm:s10], [sflag:s4] =	dma.local [spmem:s5], $0xA00  }
0x10d: {  	_ =	swait.ge [sflag:s6], $0xA00  }
0x10e: {  	s1 =	sadd.s32 $0xFFFFFFFF, s1;
	s0 =	rddreg [dreg:$0x4];
	[sflag:s6] =	ssyncset.done $0x0  }
0x10f: {  	s31 =	stileid.u32;
	s10 =	simm.s32 $0x23A0  }
0x110: {  	s11 =	simm.s32 $0x3340;
	s12 =	simm.s32 $0x42E0;
	s13 =	simm.s32 $0x5280  }
0x111: {  	s14 =	simm.s32 $0x6220;
	s15 =	simm.s32 $0x71C0;
	s16 =	simm.s32 $0x8160  }
0x112: {  	s17 =	simm.s32 $0x9100;
	s18 =	simm.s32 $0xA0A0;
	s19 =	simm.s32 $0xB040  }
0x113: {  	s20 =	simm.s32 $0xBFE0;
	s21 =	simm.s32 $0xCF80;
	s23 =	simm.s32 $0xDF20  }
0x114: {  	s24 =	simm.s32 $0xEEC0;
	s25 =	simm.s32 $0xFE60;
	s26 =	simm.s32 $0x12D40  }
0x115: {  	s28 =	simm.s32 $0x13CE0;
	s29 =	simm.s32 $0x11DA0;
	s30 =	simm.s32 $0x10E00  }
.LBB2_5:
0x116: {  	[sflag:s6] =	ssyncadd.s32 @p0 $0xFFFFF600  }
0x117: {  	[spmem:s5], [sflag:s4] =	dma.local [hbm:s0], $0xA00  }
0x118: {  	_ =	swait.ge [sflag:s6], $0xA00  }
0x119: {  	[sflag:s6] =	ssyncset.done $0x0  }
0x11a: {  	[sflag:s6] =	ssyncadd.s32 $0xFFFFF600  }
0x11b: {  	[bflag:$0x0] =	sbarrier.arrive $0xFFFF  }
0x11c: {  	s1 =	rddreg [dreg:$0x5]  }
0x11d: {  	[tilespmem:s3], [sflag:$0x2] =	stream.linear.gather [hbm4b:s1+s3], $0x1400, $0x38;
	[tilespmem:$0x19C80] =	vst v63  }
0x11e: {  	_ =	swait.ge [sflag:s6], $0x1400  }
0x11f: {  	[sflag:s6] =	ssyncset.done $0x0  }
0x120: {  	[sflag:s6] =	ssyncadd.s32 $0xFFFFEC00  }
0x121: {  	[tilespmem:s9], [sflag:$0x2] =	stream.linear.gather [hbm4b:s8+s3], $0x13880, $0x38;
	[tilespmem:$0x19C80] =	vst v63  }
0x122: {  	_ =	swait.ge [sflag:s6], $0x13880  }
0x123: {  	[sflag:s6] =	ssyncset.done $0x0  }
0x124: {  	[sflag:s6] =	ssyncadd.s32 $0xFFFEC780  }
0x125: {  	[spmem:s2] =	stream.indirect.scatter.add.f32 [tilespmem:s9], [sflag:$0x1], $0x20, s3, s7, $0xb8;
	[tilespmem:$0x19C80] =	vst v63  }
0x126: {  	s0 =	rddreg [dreg:$0x6]  }
0x127: {  	[spmem:s2] =	stream.indirect.scatter.add.f32 [tilespmem:s10], [sflag:$0x1], $0x20, s0, s7, $0xb8;
	[tilespmem:$0x19C80] =	vst v63  }
0x128: {  	s1 =	rddreg [dreg:$0x7]  }
0x129: {  	[spmem:s2] =	stream.indirect.scatter.add.f32 [tilespmem:s11], [sflag:$0x1], $0x20, s1, s7, $0xb8;
	[tilespmem:$0x19C80] =	vst v63  }
0x12a: {  	s0 =	rddreg [dreg:$0x8]  }
0x12b: {  	[spmem:s2] =	stream.indirect.scatter.add.f32 [tilespmem:s12], [sflag:$0x1], $0x20, s0, s7, $0xb8;
	[tilespmem:$0x19C80] =	vst v63  }
0x12c: {  	s1 =	rddreg [dreg:$0x9]  }
0x12d: {  	[spmem:s2] =	stream.indirect.scatter.add.f32 [tilespmem:s13], [sflag:$0x1], $0x20, s1, s7, $0xb8;
	[tilespmem:$0x19C80] =	vst v63  }
0x12e: {  	s0 =	rddreg [dreg:$0xa]  }
0x12f: {  	[spmem:s2] =	stream.indirect.scatter.add.f32 [tilespmem:s14], [sflag:$0x1], $0x20, s0, s7, $0xb8;
	[tilespmem:$0x19C80] =	vst v63  }
0x130: {  	s1 =	rddreg [dreg:$0xb]  }
0x131: {  	[spmem:s2] =	stream.indirect.scatter.add.f32 [tilespmem:s15], [sflag:$0x1], $0x20, s1, s7, $0xb8;
	[tilespmem:$0x19C80] =	vst v63  }
0x132: {  	s0 =	rddreg [dreg:$0xc]  }
0x133: {  	[spmem:s2] =	stream.indirect.scatter.add.f32 [tilespmem:s16], [sflag:$0x1], $0x20, s0, s7, $0xb8;
	[tilespmem:$0x19C80] =	vst v63  }
0x134: {  	s1 =	rddreg [dreg:$0xd]  }
0x135: {  	[spmem:s2] =	stream.indirect.scatter.add.f32 [tilespmem:s17], [sflag:$0x1], $0x20, s1, s7, $0xb8;
	[tilespmem:$0x19C80] =	vst v63  }
0x136: {  	s0 =	rddreg [dreg:$0xe]  }
0x137: {  	[spmem:s2] =	stream.indirect.scatter.add.f32 [tilespmem:s18], [sflag:$0x1], $0x20, s0, s7, $0xb8;
	[tilespmem:$0x19C80] =	vst v63  }
0x138: {  	s1 =	rddreg [dreg:$0xf]  }
0x139: {  	[spmem:s2] =	stream.indirect.scatter.add.f32 [tilespmem:s19], [sflag:$0x1], $0x20, s1, s7, $0xb8;
	[tilespmem:$0x19C80] =	vst v63  }
0x13a: {  	s0 =	rddreg [dreg:$0x10]  }
0x13b: {  	[spmem:s2] =	stream.indirect.scatter.add.f32 [tilespmem:s20], [sflag:$0x1], $0x20, s0, s7, $0xb8;
	[tilespmem:$0x19C80] =	vst v63  }
0x13c: {  	s1 =	rddreg [dreg:$0x11]  }
0x13d: {  	[spmem:s2] =	stream.indirect.scatter.add.f32 [tilespmem:s21], [sflag:$0x1], $0x20, s1, s7, $0xb8;
	[tilespmem:$0x19C80] =	vst v63  }
0x13e: {  	s0 =	rddreg [dreg:$0x12]  }
0x13f: {  	[spmem:s2] =	stream.indirect.scatter.add.f32 [tilespmem:s23], [sflag:$0x1], $0x20, s0, s7, $0xb8;
	[tilespmem:$0x19C80] =	vst v63  }
0x140: {  	s1 =	rddreg [dreg:$0x13]  }
0x141: {  	[spmem:s2] =	stream.indirect.scatter.add.f32 [tilespmem:s24], [sflag:$0x1], $0x20, s1, s7, $0xb8;
	[tilespmem:$0x19C80] =	vst v63  }
0x142: {  	s0 =	rddreg [dreg:$0x14]  }
0x143: {  	[spmem:s2] =	stream.indirect.scatter.add.f32 [tilespmem:s25], [sflag:$0x1], $0x20, s0, s7, $0xb8;
	[tilespmem:$0x19C80] =	vst v63  }
0x144: {  	s1 =	rddreg [dreg:$0x15]  }
0x145: {  	[spmem:s2] =	stream.indirect.scatter.add.f32 [tilespmem:s30], [sflag:$0x1], $0x20, s1, s7, $0xb8;
	[tilespmem:$0x19C80] =	vst v63  }
0x146: {  	s0 =	rddreg [dreg:$0x16]  }
0x147: {  	[spmem:s2] =	stream.indirect.scatter.add.f32 [tilespmem:s29], [sflag:$0x1], $0x20, s0, s7, $0xb8;
	[tilespmem:$0x19C80] =	vst v63  }
0x148: {  	s1 =	rddreg [dreg:$0x17]  }
0x149: {  	[spmem:s2] =	stream.indirect.scatter.add.f32 [tilespmem:s26], [sflag:$0x1], $0x20, s1, s7, $0xb8;
	[tilespmem:$0x19C80] =	vst v63  }
0x14a: {  	s0 =	rddreg [dreg:$0x18]  }
0x14b: {  	[spmem:s2] =	stream.indirect.scatter.add.f32 [tilespmem:s28], [sflag:$0x1], $0x20, s0, s7, $0xb8;
	[tilespmem:$0x19C80] =	vst v63  }
0x14c: {  	_ =	swait.ge [sflag:s22], $0x13880  }
0x14d: {  	[sflag:s22] =	ssyncset.done $0x0  }
0x14e: {  	s8 =	sadd.s32 $0x2710, s8;
	[sflag:s22] =	ssyncadd.s32 $0xFFFEC780  }
0x14f: {  	[tilespmem:s9], [sflag:$0x2] =	stream.linear.gather [hbm4b:s8+s3], $0x13880, $0x38;
	[tilespmem:$0x19C80] =	vst v63  }
0x150: {  	_ =	swait.ge [sflag:s6], $0x13880  }
0x151: {  	s1 =	rddreg [dreg:$0x19];
	[sflag:s6] =	ssyncset.done $0x0  }
0x152: {  	s3 =	rddreg [dreg:$0x1a];
	[sflag:s6] =	ssyncadd.s32 $0xFFFEC780  }
0x153: {  	[spmem:s2] =	stream.indirect.scatter.add.f32 [tilespmem:s9], [sflag:$0x1], $0x20, s1, s7, $0xb8;
	[tilespmem:$0x19C80] =	vst v63  }
0x154: {  	s8 =	rddreg [dreg:$0x1b]  }
0x155: {  	[spmem:s2] =	stream.indirect.scatter.add.f32 [tilespmem:s10], [sflag:$0x1], $0x20, s3, s7, $0xb8;
	[tilespmem:$0x19C80] =	vst v63  }
0x156: {  	s9 =	rddreg [dreg:$0x1c]  }
0x157: {  	[spmem:s2] =	stream.indirect.scatter.add.f32 [tilespmem:s11], [sflag:$0x1], $0x20, s8, s7, $0xb8;
	[tilespmem:$0x19C80] =	vst v63  }
0x158: {  	s10 =	rddreg [dreg:$0x1d]  }
0x159: {  	[spmem:s2] =	stream.indirect.scatter.add.f32 [tilespmem:s12], [sflag:$0x1], $0x20, s9, s7, $0xb8;
	[tilespmem:$0x19C80] =	vst v63  }
0x15a: {  	s11 =	rddreg [dreg:$0x1e]  }
0x15b: {  	[spmem:s2] =	stream.indirect.scatter.add.f32 [tilespmem:s13], [sflag:$0x1], $0x20, s10, s7, $0xb8;
	[tilespmem:$0x19C80] =	vst v63  }
0x15c: {  	s12 =	rddreg [dreg:$0x1f]  }
0x15d: {  	[spmem:s2] =	stream.indirect.scatter.add.f32 [tilespmem:s14], [sflag:$0x1], $0x20, s11, s7, $0xb8;
	[tilespmem:$0x19C80] =	vst v63  }
0x15e: {  	s13 =	sld [smem:$0x7F0]  }
0x15f: {  	[spmem:s2] =	stream.indirect.scatter.add.f32 [tilespmem:s15], [sflag:$0x1], $0x20, s12, s7, $0xb8;
	[tilespmem:$0x19C80] =	vst v63  }
0x160: {  	s14 =	sld [smem:$0x7F1]  }
0x161: {  	[spmem:s2] =	stream.indirect.scatter.add.f32 [tilespmem:s16], [sflag:$0x1], $0x20, s13, s7, $0xb8;
	[tilespmem:$0x19C80] =	vst v63  }
0x162: {  	s15 =	sld [smem:$0x7F2]  }
0x163: {  	[spmem:s2] =	stream.indirect.scatter.add.f32 [tilespmem:s17], [sflag:$0x1], $0x20, s14, s7, $0xb8;
	[tilespmem:$0x19C80] =	vst v63  }
0x164: {  	s16 =	sld [smem:$0x7F3]  }
0x165: {  	[spmem:s2] =	stream.indirect.scatter.add.f32 [tilespmem:s18], [sflag:$0x1], $0x20, s15, s7, $0xb8;
	[tilespmem:$0x19C80] =	vst v63  }
0x166: {  	s17 =	sld [smem:$0x7F4]  }
0x167: {  	[spmem:s2] =	stream.indirect.scatter.add.f32 [tilespmem:s19], [sflag:$0x1], $0x20, s16, s7, $0xb8;
	[tilespmem:$0x19C80] =	vst v63  }
0x168: {  	s18 =	sld [smem:$0x7F5]  }
0x169: {  	[spmem:s2] =	stream.indirect.scatter.add.f32 [tilespmem:s20], [sflag:$0x1], $0x20, s17, s7, $0xb8;
	[tilespmem:$0x19C80] =	vst v63  }
0x16a: {  	s19 =	sld [smem:$0x7F6]  }
0x16b: {  	[spmem:s2] =	stream.indirect.scatter.add.f32 [tilespmem:s21], [sflag:$0x1], $0x20, s18, s7, $0xb8;
	[tilespmem:$0x19C80] =	vst v63  }
0x16c: {  	s20 =	sld [smem:$0x7F7]  }
0x16d: {  	[spmem:s2] =	stream.indirect.scatter.add.f32 [tilespmem:s23], [sflag:$0x1], $0x20, s19, s7, $0xb8;
	[tilespmem:$0x19C80] =	vst v63  }
0x16e: {  	s21 =	sld [smem:$0x7F8]  }
0x16f: {  	[spmem:s2] =	stream.indirect.scatter.add.f32 [tilespmem:s24], [sflag:$0x1], $0x20, s20, s7, $0xb8;
	[tilespmem:$0x19C80] =	vst v63  }
0x170: {  	s23 =	sld [smem:$0x7F9]  }
0x171: {  	[spmem:s2] =	stream.indirect.scatter.add.f32 [tilespmem:s25], [sflag:$0x1], $0x20, s21, s7, $0xb8;
	[tilespmem:$0x19C80] =	vst v63  }
0x172: {  	s24 =	sld [smem:$0x7FA]  }
0x173: {  	[spmem:s2] =	stream.indirect.scatter.add.f32 [tilespmem:s30], [sflag:$0x1], $0x20, s23, s7, $0xb8;
	[tilespmem:$0x19C80] =	vst v63  }
0x174: {  	s25 =	sld [smem:$0x7FB]  }
0x175: {  	[spmem:s2] =	stream.indirect.scatter.add.f32 [tilespmem:s29], [sflag:$0x1], $0x20, s24, s7, $0xb8;
	[tilespmem:$0x19C80] =	vst v63  }
0x176: {  	s29 =	sld [smem:$0x7FC]  }
0x177: {  	[spmem:s2] =	stream.indirect.scatter.add.f32 [tilespmem:s26], [sflag:$0x1], $0x20, s25, s7, $0xb8;
	[tilespmem:$0x19C80] =	vst v63  }
0x178: {  	_ = 	snop  }
0x179: {  	[spmem:s2] =	stream.indirect.scatter.add.f32 [tilespmem:s28], [sflag:$0x1], $0x20, s29, s7, $0xb8;
	[tilespmem:$0x19C80] =	vst v63  }
0x17a: {  	_ =	swait.ge [sflag:s22], $0x13880  }
0x17b: {  	[sflag:s22] =	ssyncset.done $0x0  }
0x17c: {  	[sflag:s22] =	ssyncadd.s32 $0xFFFEC780  }
0x17d: {  	[bflag:$0x0] =	sbarrier.arrive $0xFFFF  }
0x17e: {  	s30 =	sld [smem:$0x7FD];
	_ =	sdelay $0x2  }
0x17f: {  	[hbm:s30], [sflag:s4] =	dma.local [spmem:s5], $0xA00  }
0x180: {  	_ =	swait.ge [sflag:s6], $0xA00  }
0x181: {  	[sflag:s6] =	ssyncset.done $0x0  }
0x182: {  	[sflag:s6] =	ssyncadd.s32 $0xFFFFF600  }
0x183: {  	_ =	sfence.sel $0x180000  }
0x184: {  	[bflag:$0x0] =	sbarrier.arrive $0xFFFF  }
0x185: {  	_ =	strace $0x9000004A  }
0x186: {  	[bflag:$0x2] =	sbarrier.arrive $0xFFFF  }
0x187: {  	p0 =	sne.s32 s31, $0x0;
	s0 =	rddreg [dreg:$0x3]  }
0x188: {  	s0 =	sadd.s32 @!p0 $0x100000, s0  }
0x189: {  	[sflag:s0] =	ssyncadd.tile.s32 @!p0 $0x1;
	_ =	shalt  }
.LBB2_2:
0x18a: {  	s31 =	stileid.u32;
	s10 =	simm.s32 $0x23A0;
	s11 =	simm.s32 $0x3340  }
0x18b: {  	s12 =	simm.s32 $0x42E0;
	s13 =	simm.s32 $0x5280;
	s14 =	simm.s32 $0x6220  }
.Ltmp3:
0x18c: {  	s15 =	simm.s32 $0x71C0;
	s16 =	simm.s32 $0x8160;
	(pc) =	sbr.rel .LBB2_5-.Ltmp3, $4  }
0x18d: {  	s17 =	simm.s32 $0x9100;
	s18 =	simm.s32 $0xA0A0;
	s19 =	simm.s32 $0xB040  }
0x18e: {  	s20 =	simm.s32 $0xBFE0;
	s21 =	simm.s32 $0xCF80;
	s23 =	simm.s32 $0xDF20  }
0x18f: {  	s24 =	simm.s32 $0xEEC0;
	s25 =	simm.s32 $0xFE60;
	s26 =	simm.s32 $0x12D40  }
0x190: {  	s28 =	simm.s32 $0x13CE0;
	s29 =	simm.s32 $0x11DA0;
	s30 =	simm.s32 $0x10E00  }
.Lfunc_end2:
_tile_overlayer_lowered:
.L_overlay_start_2:
0x191: {  	(tag) =	ssettag $0x2  }
0x192: {  	s0 =	rddreg [dreg:$0x0];
	s2 =	stileid.u32  }
0x193: {  	s1 =	rddreg [dreg:$0x1];
	p0 =	sne.s32 s2, $0x0  }
0x194: {  	s3 =	rddreg [dreg:$0x2];
	[bflag:$0x3] =	sbarrier.arrive $0xFFFF;
	s2 =	simm.s32 @!p0 $0x1C02  }
0x195: {  	[timem:s3], [sflag:s2] =	dma.local @!p0 [hbm:s0], s1  }
0x196: {  	s0 =	simm.s32 @!p0 $0x2  }
0x197: {  	_ =	swait.ge @!p0 [sflag:s0], s1  }
0x198: {  	s1 =	ssub.s32 @!p0 $0x0, s1;
	[sflag:s0] =	ssyncset.done @!p0 $0x0  }
0x199: {  	[sflag:s0] =	ssyncadd.s32 @!p0 s1  }
0x19a: {  	[bflag:$0x3] =	sbarrier.arrive $0xFFFF  }
0x19b: {  	_ =	shalt  }

</sc_bundles>
